<compile_context>
chip_gen: v7x
topology: tpu7x:2x2x1
jax: 0.10.2.dev20260603
libtpu: 0.0.44.dev20260713+nightly
codegen_flags: <defaults>
</compile_context>

<pallas_src>
import functools

import jax
import jax.numpy as jnp
from jax import lax
from jax.experimental import pallas as pl
from jax.experimental.pallas import tpu as pltpu
from jax.experimental.pallas import tpu_sc as plsc

N = 10000
E = 320000
F = 128
C = 40

NC = 2
NS = 16
NW = NC * NS
EPW = E // NW
CH = 80
NCHUNK = EPW // CH
NZT = 10
RPT = N // NZT
ZB = 40
NZB = RPT // ZB


@functools.lru_cache(maxsize=None)
def _make_sc_agg():
    mesh = plsc.VectorSubcoreMesh(core_axis_name="c", subcore_axis_name="s")

    @functools.partial(
        pl.kernel,
        mesh=mesh,
        out_type=jax.ShapeDtypeStruct((NC, N, F), jnp.float32),
        scratch_types=[
            pltpu.VMEM((EPW,), jnp.int32),
            pltpu.VMEM((EPW,), jnp.int32),
            pltpu.VMEM((CH, F), jnp.float32),
            pltpu.VMEM((CH, F), jnp.float32),
            pltpu.SemaphoreType.DMA,
            pltpu.SemaphoreType.DMA,
            pltpu.VMEM_SHARED((N, F), jnp.float32),
        ],
    )
    def _sc_agg(feat, srcg, dstg, zrows,
                agg_out,
                sidx_all, didx_all, rows_a, rows_b,
                sem_a, sem_b, aggsh):
        cid = lax.axis_index("c")
        sid = lax.axis_index("s")
        wid = cid * NS + sid
        r0 = sid * RPT

        @pl.when(sid < NZT)
        def _():
            def zstep(zi, carry):
                pltpu.sync_copy(zrows, aggsh.at[pl.ds(r0 + zi * ZB, ZB)])
                return carry
            lax.fori_loop(0, NZB, zstep, 0)

        pltpu.sync_copy(srcg.at[pl.ds(wid * EPW, EPW)], sidx_all)
        pltpu.sync_copy(dstg.at[pl.ds(wid * EPW, EPW)], didx_all)
        plsc.subcore_barrier()

        pltpu.async_copy(feat.at[sidx_all.at[pl.ds(0, CH)]], rows_a, sem_a)

        def pair(i, carry):
            c0 = 2 * i + 1
            pltpu.async_copy(feat.at[sidx_all.at[pl.ds(c0 * CH, CH)]], rows_b, sem_b)
            pltpu.make_async_copy(feat.at[sidx_all.at[pl.ds(0, CH)]], rows_a, sem_a).wait()
            pltpu.sync_copy(rows_a, aggsh.at[didx_all.at[pl.ds((c0 - 1) * CH, CH)]], add=True)
            pltpu.async_copy(feat.at[sidx_all.at[pl.ds((c0 + 1) * CH, CH)]], rows_a, sem_a)
            pltpu.make_async_copy(feat.at[sidx_all.at[pl.ds(0, CH)]], rows_b, sem_b).wait()
            pltpu.sync_copy(rows_b, aggsh.at[didx_all.at[pl.ds(c0 * CH, CH)]], add=True)
            return carry

        lax.fori_loop(0, (NCHUNK - 1) // 2, pair, 0)
        pltpu.make_async_copy(feat.at[sidx_all.at[pl.ds(0, CH)]], rows_a, sem_a).wait()
        pltpu.sync_copy(rows_a, aggsh.at[didx_all.at[pl.ds((NCHUNK - 1) * CH, CH)]], add=True)
        plsc.subcore_barrier()

        @pl.when(sid < NZT)
        def _():
            pltpu.sync_copy(aggsh.at[pl.ds(r0, RPT)], agg_out.at[cid, pl.ds(r0, RPT)])

    return _sc_agg


@functools.lru_cache(maxsize=None)
def _make_sc_agg_deg():
    mesh = plsc.VectorSubcoreMesh(core_axis_name="c", subcore_axis_name="s")

    @functools.partial(
        pl.kernel,
        mesh=mesh,
        out_type=(
            jax.ShapeDtypeStruct((NC, N, F), jnp.float32),
            jax.ShapeDtypeStruct((NC, N, F), jnp.float32),
        ),
        scratch_types=[
            pltpu.VMEM((EPW,), jnp.int32),
            pltpu.VMEM((EPW,), jnp.int32),
            pltpu.VMEM((CH, F), jnp.float32),
            pltpu.VMEM((CH, F), jnp.float32),
            pltpu.SemaphoreType.DMA,
            pltpu.SemaphoreType.DMA,
            pltpu.VMEM_SHARED((N, F), jnp.float32),
        ],
    )
    def _sc_agg_deg(feat, srcg, dstg, zrows, ones,
                    agg_out, deg_out,
                    sidx_all, didx_all, rows_a, rows_b, sem_a, sem_b, aggsh):
        cid = lax.axis_index("c")
        sid = lax.axis_index("s")
        wid = cid * NS + sid
        r0 = sid * RPT

        def _zero_acc():
            @pl.when(sid < NZT)
            def _():
                def zstep(zi, carry):
                    pltpu.sync_copy(zrows, aggsh.at[pl.ds(r0 + zi * ZB, ZB)])
                    return carry
                lax.fori_loop(0, NZB, zstep, 0)

        _zero_acc()
        pltpu.sync_copy(srcg.at[pl.ds(wid * EPW, EPW)], sidx_all)
        pltpu.sync_copy(dstg.at[pl.ds(wid * EPW, EPW)], didx_all)
        pltpu.sync_copy(ones, rows_a)
        plsc.subcore_barrier()

        def group(gi, carry):
            descs = [pltpu.async_copy(
                rows_a, aggsh.at[didx_all.at[pl.ds((gi * 5 + j) * CH, CH)]],
                sem_a, add=True) for j in range(5)]
            for d in descs:
                d.wait()
            return carry

        lax.fori_loop(0, NCHUNK // 5, group, 0)
        plsc.subcore_barrier()

        @pl.when(sid < NZT)
        def _():
            pltpu.sync_copy(aggsh.at[pl.ds(r0, RPT)], deg_out.at[cid, pl.ds(r0, RPT)])

        plsc.subcore_barrier()
        _zero_acc()
        plsc.subcore_barrier()

        pltpu.async_copy(feat.at[sidx_all.at[pl.ds(0, CH)]], rows_a, sem_a)

        def pair(i, carry):
            c0 = 2 * i + 1
            pltpu.async_copy(feat.at[sidx_all.at[pl.ds(c0 * CH, CH)]], rows_b, sem_b)
            pltpu.make_async_copy(feat.at[sidx_all.at[pl.ds(0, CH)]], rows_a, sem_a).wait()
            pltpu.sync_copy(rows_a, aggsh.at[didx_all.at[pl.ds((c0 - 1) * CH, CH)]], add=True)
            pltpu.async_copy(feat.at[sidx_all.at[pl.ds((c0 + 1) * CH, CH)]], rows_a, sem_a)
            pltpu.make_async_copy(feat.at[sidx_all.at[pl.ds(0, CH)]], rows_b, sem_b).wait()
            pltpu.sync_copy(rows_b, aggsh.at[didx_all.at[pl.ds(c0 * CH, CH)]], add=True)
            return carry

        lax.fori_loop(0, (NCHUNK - 1) // 2, pair, 0)
        pltpu.make_async_copy(feat.at[sidx_all.at[pl.ds(0, CH)]], rows_a, sem_a).wait()
        pltpu.sync_copy(rows_a, aggsh.at[didx_all.at[pl.ds((NCHUNK - 1) * CH, CH)]], add=True)
        plsc.subcore_barrier()

        @pl.when(sid < NZT)
        def _():
            pltpu.sync_copy(aggsh.at[pl.ds(r0, RPT)], agg_out.at[cid, pl.ds(r0, RPT)])

    return _sc_agg_deg



RB = 400
NBLK = N // RB


def _pre_stats_body(aggp, degp, feat, wl, bl, wr, pre_ref, stats_ref):
    agg = aggp[0] + aggp[1]
    deg = degp[0, :, 0:1] + degp[1, :, 0:1]
    recip = 1.0 / jnp.maximum(deg, 1.0)
    aggn = agg * recip
    pre = (jnp.dot(aggn, wl[...], preferred_element_type=jnp.float32)
           + jnp.dot(feat[...], wr[...], preferred_element_type=jnp.float32)
           + bl[...])
    pre_ref[...] = pre
    s = jnp.sum(pre, axis=0, keepdims=True)
    s2 = jnp.sum(pre * pre, axis=0, keepdims=True)

    @pl.when(pl.program_id(0) == 0)
    def _():
        stats_ref[0:1, :] = s
        stats_ref[1:2, :] = s2

    @pl.when(pl.program_id(0) != 0)
    def _():
        stats_ref[0:1, :] += s
        stats_ref[1:2, :] += s2


def _pre_stats(aggp, degp, feat, wl, bl, wr):
    return pl.pallas_call(
        lambda a, d, f, wlr, blr, wrr, po, so: _pre_stats_body(
            a, d, f, wlr, blr, wrr, po, so),
        grid=(NBLK,),
        in_specs=[
            pl.BlockSpec((NC, RB, F), lambda i: (0, i, 0)),
            pl.BlockSpec((NC, RB, F), lambda i: (0, i, 0)),
            pl.BlockSpec((RB, F), lambda i: (i, 0)),
            pl.BlockSpec((F, F), lambda i: (0, 0)),
            pl.BlockSpec((1, F), lambda i: (0, 0)),
            pl.BlockSpec((F, F), lambda i: (0, 0)),
        ],
        out_specs=[
            pl.BlockSpec((RB, F), lambda i: (i, 0)),
            pl.BlockSpec((2, F), lambda i: (0, 0)),
        ],
        out_shape=[
            jax.ShapeDtypeStruct((N, F), jnp.float32),
            jax.ShapeDtypeStruct((2, F), jnp.float32),
        ],
    )(aggp, degp, feat, wl, bl.reshape(1, F), wr)


def _bn_relu_body(pre, stats, g, b, out_ref):
    m = stats[0:1, :] * (1.0 / N)
    var = stats[1:2, :] * (1.0 / N) - m * m
    inv = lax.rsqrt(var + 1e-5)
    h = (pre[...] - m) * inv * g[...] + b[...]
    out_ref[...] = jnp.maximum(h, 0.0)


def _bn_relu(pre, stats, g, b):
    return pl.pallas_call(
        _bn_relu_body,
        grid=(NBLK,),
        in_specs=[
            pl.BlockSpec((RB, F), lambda i: (i, 0)),
            pl.BlockSpec((2, F), lambda i: (0, 0)),
            pl.BlockSpec((1, F), lambda i: (0, 0)),
            pl.BlockSpec((1, F), lambda i: (0, 0)),
        ],
        out_specs=pl.BlockSpec((RB, F), lambda i: (i, 0)),
        out_shape=jax.ShapeDtypeStruct((N, F), jnp.float32),
    )(pre, stats, g.reshape(1, F), b.reshape(1, F))


def _final_body(pre, stats, g, b, wlin, blin, out_ref, logp_ref):
    m = stats[0:1, :] * (1.0 / N)
    var = stats[1:2, :] * (1.0 / N) - m * m
    inv = lax.rsqrt(var + 1e-5)
    h = (pre[...] - m) * inv * g[...] + b[...]
    h = jnp.maximum(h, 0.0)
    o = jnp.dot(h, wlin[...], preferred_element_type=jnp.float32) + blin[...]
    o = jnp.maximum(o, 0.0)
    mx = jnp.max(o, axis=1, keepdims=True)
    lse = jnp.log(jnp.sum(jnp.exp(o - mx), axis=1, keepdims=True)) + mx
    out_ref[...] = o
    logp_ref[...] = o - lse


def _final(pre, stats, g, b, wlin, blin):
    return pl.pallas_call(
        _final_body,
        grid=(NBLK,),
        in_specs=[
            pl.BlockSpec((RB, F), lambda i: (i, 0)),
            pl.BlockSpec((2, F), lambda i: (0, 0)),
            pl.BlockSpec((1, F), lambda i: (0, 0)),
            pl.BlockSpec((1, F), lambda i: (0, 0)),
            pl.BlockSpec((F, C), lambda i: (0, 0)),
            pl.BlockSpec((1, C), lambda i: (0, 0)),
        ],
        out_specs=[
            pl.BlockSpec((RB, C), lambda i: (i, 0)),
            pl.BlockSpec((RB, C), lambda i: (i, 0)),
        ],
        out_shape=[
            jax.ShapeDtypeStruct((N, C), jnp.float32),
            jax.ShapeDtypeStruct((N, C), jnp.float32),
        ],
    )(pre, stats, g.reshape(1, F), b.reshape(1, F), wlin, blin.reshape(1, C))


def kernel(x, edge_index, batch, Wl1, bl1, Wr1, g1, b1,
           Wl2, bl2, Wr2, g2, b2, Wlin, blin):
    src = edge_index[0]
    dst = edge_index[1]
    zrows = jnp.zeros((ZB, F), jnp.float32)
    ones = jnp.ones((CH, F), jnp.float32)

    aggp1, degp = _make_sc_agg_deg()(x, src, dst, zrows, ones)
    pre1, stats1 = _pre_stats(aggp1, degp, x, Wl1, bl1, Wr1)
    h1 = _bn_relu(pre1, stats1, g1, b1)
    aggp2 = _make_sc_agg()(h1, src, dst, zrows)
    pre2, stats2 = _pre_stats(aggp2, degp, h1, Wl2, bl2, Wr2)
    out, logp = _final(pre2, stats2, g2, b2, Wlin, blin)
    return (logp, out)

# --- scband reference (transcript-rebuilt; emitter-appended) ---
"""Pipeline reference for scband-graph-sage-47364899340882 (READ-ONLY COPY).

The authoritative reference and input builder live on the scoring server;
editing this copy changes nothing except your own understanding.
"""

import jax, jax.numpy as jnp
import numpy as np

N = 10000
E = 320000
F_IN = 128
H = 128
C = 40

def setup_inputs(seed: int = 0):
    key = jax.random.key(seed)
    ks = jax.random.split(key, 16)
    def lin(k, fi, fo):
        s = 1.0 / np.sqrt(fi)
        return jax.random.uniform(k, (fi, fo), jnp.float32, -s, s)
    inp = {}
    inp['x'] = jax.random.normal(ks[0], (N, F_IN), jnp.float32)
    inp['edge_index'] = jax.random.randint(ks[1], (2, E), 0, N, dtype=jnp.int32)
    inp['batch'] = jnp.zeros((N,), jnp.int32)
    inp['Wl1'] = lin(ks[2], F_IN, H)
    inp['bl1'] = jnp.zeros((H,), jnp.float32)
    inp['Wr1'] = lin(ks[3], F_IN, H)
    inp['g1'] = jnp.ones((H,), jnp.float32)
    inp['b1'] = jnp.zeros((H,), jnp.float32)
    inp['Wl2'] = lin(ks[4], H, H)
    inp['bl2'] = jnp.zeros((H,), jnp.float32)
    inp['Wr2'] = lin(ks[5], H, H)
    inp['g2'] = jnp.ones((H,), jnp.float32)
    inp['b2'] = jnp.zeros((H,), jnp.float32)
    inp['Wlin'] = lin(ks[6], H, C)
    inp['blin'] = jnp.zeros((C,), jnp.float32)
    return inp

def _sage(x, src, dst, Wl, bl, Wr, n):
    # PyG SAGEConv with mean aggregation: W_l * mean_{j in N(i)} x_j + b_l + W_r * x_i
    msg = jnp.take(x, src, axis=0)
    agg = jax.ops.segment_sum(msg, dst, num_segments=n)
    deg = jax.ops.segment_sum(jnp.ones(src.shape, x.dtype), dst, num_segments=n)
    agg = agg / jnp.clip(deg, 1.0, None)[:, None]
    return agg @ Wl + bl + x @ Wr

def _bn(x, g, b):
    # BatchNorm1d (training-mode batch statistics)
    m = jnp.mean(x, axis=0)
    v = jnp.var(x, axis=0)
    return (x - m) / jnp.sqrt(v + 1e-5) * g + b

def reference(x, edge_index, batch, Wl1, bl1, Wr1, g1, b1, Wl2, bl2, Wr2, g2, b2, Wlin, blin):
    n = x.shape[0]
    src, dst = edge_index[0], edge_index[1]
    h = _sage(x, src, dst, Wl1, bl1, Wr1, n)
    h = jax.nn.relu(_bn(h, g1, b1))
    h = _sage(h, src, dst, Wl2, bl2, Wr2, n)
    h = jax.nn.relu(_bn(h, g2, b2))
    out = jax.nn.relu(h @ Wlin + blin)
    logp = jax.nn.log_softmax(out, axis=1)
    return (logp, out)

if __name__ == "__main__":
    import jax
    _d = setup_inputs()
    print(jax.jit(kernel)(*tuple(_d.values())))

</pallas_src>

<mosaic_0001>
#map = affine_map<(d0, d1) -> (0, 0)>
#map1 = affine_map<(d0, d1) -> (0)>
#map2 = affine_map<(d0, d1) -> (0, 0, 0)>
module attributes {stable_mosaic.version = 14 : i64} {
  func.func @_sc_agg(%arg0: i32, %arg1: i32, %arg2: memref<10000x128xf32, #tpu.memory_space<hbm>>, %arg3: memref<320000xi32, #tpu.memory_space<hbm>>, %arg4: memref<320000xi32, #tpu.memory_space<hbm>>, %arg5: memref<40x128xf32, #tpu.memory_space<hbm>>, %arg6: memref<2x10000x128xf32, #tpu.memory_space<hbm>>, %arg7: memref<10000xi32, #tpu.memory_space<vmem>>, %arg8: memref<10000xi32, #tpu.memory_space<vmem>>, %arg9: memref<80x128xf32, #tpu.memory_space<vmem>>, %arg10: memref<80x128xf32, #tpu.memory_space<vmem>>, %arg11: memref<!tpu.dma_semaphore, #tpu.memory_space<semaphore_mem>>, %arg12: memref<!tpu.dma_semaphore, #tpu.memory_space<semaphore_mem>>, %arg13: memref<10000x128xf32, #tpu.memory_space<vmem_shared>>) attributes {dimension_semantics = [#tpu.dimension_semantics<core_parallel>, #tpu.dimension_semantics<subcore_parallel>], iteration_bounds = array<i64: 2, 16>, scalar_prefetch = 0 : i64, scratch_operands = 7 : i64, tpu.core_type = #tpu.core_type<sc_vector_subcore>, window_params = [{transform_indices = #map}, {transform_indices = #map1}, {transform_indices = #map1}, {transform_indices = #map}, {transform_indices = #map2}]} {
    %mul3A = arith.constant 16 : i32
    %mul3A_0 = arith.muli %arg0, %mul3A : i32
    %add3A = arith.addi %mul3A_0, %arg1 : i32
    %mul3A_1 = arith.constant 1000 : i32
    %mul3A_2 = arith.muli %arg1, %mul3A_1 : i32
    %lt3A = arith.constant 10 : i32
    %lt3A_3 = arith.cmpi slt, %arg1, %lt3A : i32
    %convert_element_type3A = arith.extui %lt3A_3 : i1 to i32
    %cond3A = arith.constant 0 : i32
    %cond3A_4 = arith.cmpi ne, %convert_element_type3A, %cond3A : i32
    scf.if %cond3A_4 {
      %scan3A_28 = arith.constant 0 : i32
      %scan3A_29 = arith.constant 0 : i32
      %scan3A_30 = arith.constant 25 : i32
      %scan3A_31 = arith.addi %scan3A_29, %scan3A_30 : i32
      %scan3A_32 = arith.constant 1 : i32
      scf.for %scan3A_34 = %scan3A_29 to %scan3A_31 step %scan3A_32  : i32 {
        %mul3A_35 = arith.constant 40 : i32
        %mul3A_36 = arith.muli %scan3A_34, %mul3A_35 : i32
        %add3A_37 = arith.addi %mul3A_2, %mul3A_36 : i32
        "tpu.region"() ({
          %run_scoped3A = tpu.sem_alloc : memref<!tpu.dma_semaphore, #tpu.memory_space<semaphore_mem>>
          %dma_start3A_38 = arith.constant 0 : i32
          %dma_start3A_39 = tpu.memref_slice %arg13[%add3A_37, %dma_start3A_38] : memref<10000x128xf32, #tpu.memory_space<vmem_shared>> -> memref<40x128xf32, #tpu.memory_space<vmem_shared>>
          tpu.enqueue_dma source(%arg5 : memref<40x128xf32, #tpu.memory_space<hbm>>) target(%dma_start3A_39 : memref<40x128xf32, #tpu.memory_space<vmem_shared>>) target_semaphore(%run_scoped3A : memref<!tpu.dma_semaphore, #tpu.memory_space<semaphore_mem>>)
          %dma_wait3A_40 = arith.constant 0 : i32
          %dma_wait3A_41 = tpu.memref_slice %arg13[%add3A_37, %dma_wait3A_40] : memref<10000x128xf32, #tpu.memory_space<vmem_shared>> -> memref<40x128xf32, #tpu.memory_space<vmem_shared>>
          tpu.wait_dma2 semaphore(%run_scoped3A : memref<!tpu.dma_semaphore, #tpu.memory_space<semaphore_mem>>) src(%arg5 : memref<40x128xf32, #tpu.memory_space<hbm>>) dst(%dma_wait3A_41 : memref<40x128xf32, #tpu.memory_space<vmem_shared>>)
          tpu.yield
        }) : () -> ()
      }
      %scan3A_33 = arith.constant 25 : i32
    } else {
    }
    %mul3A_5 = arith.constant 10000 : i32
    %mul3A_6 = arith.muli %add3A, %mul3A_5 : i32
    "tpu.region"() ({
      %run_scoped3A = tpu.sem_alloc : memref<!tpu.dma_semaphore, #tpu.memory_space<semaphore_mem>>
      %dma_start3A_28 = tpu.memref_slice %arg3[%mul3A_6] : memref<320000xi32, #tpu.memory_space<hbm>> -> memref<10000xi32, #tpu.memory_space<hbm>>
      %dma_start3A_29 = tpu.memref_slice %arg3[%mul3A_6] : memref<320000xi32, #tpu.memory_space<hbm>> -> memref<10000xi32, #tpu.memory_space<hbm>>
      tpu.enqueue_dma source(%dma_start3A_29 : memref<10000xi32, #tpu.memory_space<hbm>>) target(%arg7 : memref<10000xi32, #tpu.memory_space<vmem>>) target_semaphore(%run_scoped3A : memref<!tpu.dma_semaphore, #tpu.memory_space<semaphore_mem>>)
      %dma_wait3A_30 = tpu.memref_slice %arg3[%mul3A_6] : memref<320000xi32, #tpu.memory_space<hbm>> -> memref<10000xi32, #tpu.memory_space<hbm>>
      %dma_wait3A_31 = tpu.memref_slice %arg3[%mul3A_6] : memref<320000xi32, #tpu.memory_space<hbm>> -> memref<10000xi32, #tpu.memory_space<hbm>>
      tpu.wait_dma2 semaphore(%run_scoped3A : memref<!tpu.dma_semaphore, #tpu.memory_space<semaphore_mem>>) src(%dma_wait3A_31 : memref<10000xi32, #tpu.memory_space<hbm>>) dst(%arg7 : memref<10000xi32, #tpu.memory_space<vmem>>)
      tpu.yield
    }) : () -> ()
    %mul3A_7 = arith.constant 10000 : i32
    %mul3A_8 = arith.muli %add3A, %mul3A_7 : i32
    "tpu.region"() ({
      %run_scoped3A = tpu.sem_alloc : memref<!tpu.dma_semaphore, #tpu.memory_space<semaphore_mem>>
      %dma_start3A_28 = tpu.memref_slice %arg4[%mul3A_8] : memref<320000xi32, #tpu.memory_space<hbm>> -> memref<10000xi32, #tpu.memory_space<hbm>>
      %dma_start3A_29 = tpu.memref_slice %arg4[%mul3A_8] : memref<320000xi32, #tpu.memory_space<hbm>> -> memref<10000xi32, #tpu.memory_space<hbm>>
      tpu.enqueue_dma source(%dma_start3A_29 : memref<10000xi32, #tpu.memory_space<hbm>>) target(%arg8 : memref<10000xi32, #tpu.memory_space<vmem>>) target_semaphore(%run_scoped3A : memref<!tpu.dma_semaphore, #tpu.memory_space<semaphore_mem>>)
      %dma_wait3A_30 = tpu.memref_slice %arg4[%mul3A_8] : memref<320000xi32, #tpu.memory_space<hbm>> -> memref<10000xi32, #tpu.memory_space<hbm>>
      %dma_wait3A_31 = tpu.memref_slice %arg4[%mul3A_8] : memref<320000xi32, #tpu.memory_space<hbm>> -> memref<10000xi32, #tpu.memory_space<hbm>>
      tpu.wait_dma2 semaphore(%run_scoped3A : memref<!tpu.dma_semaphore, #tpu.memory_space<semaphore_mem>>) src(%dma_wait3A_31 : memref<10000xi32, #tpu.memory_space<hbm>>) dst(%arg8 : memref<10000xi32, #tpu.memory_space<vmem>>)
      tpu.yield
    }) : () -> ()
    %barrier3A = arith.constant 0 : index
    tpu.barrier barrier_id(%barrier3A)
    %dma_start3A = arith.constant 0 : i32
    %dma_start3A_9 = tpu.memref_slice %arg7[%dma_start3A] : memref<10000xi32, #tpu.memory_space<vmem>> -> memref<80xi32, #tpu.memory_space<vmem>>
    %dma_start3A_10 = arith.constant 0 : i32
    %dma_start3A_11 = arith.constant 0 : i32
    %dma_start3A_12 = tpu.memref_slice %arg2[%dma_start3A_10, %dma_start3A_11] : memref<10000x128xf32, #tpu.memory_space<hbm>> -> memref<10000x128xf32, #tpu.memory_space<hbm>>
    tpu.enqueue_indirect_dma source(%dma_start3A_12 : memref<10000x128xf32, #tpu.memory_space<hbm>>) target(%arg9 : memref<80x128xf32, #tpu.memory_space<vmem>>) offsets(%dma_start3A_9 : memref<80xi32, #tpu.memory_space<vmem>>) semaphore(%arg11 : memref<!tpu.dma_semaphore, #tpu.memory_space<semaphore_mem>>)
    %scan3A = arith.constant 0 : i32
    %scan3A_13 = arith.constant 0 : i32
    %scan3A_14 = arith.constant 62 : i32
    %scan3A_15 = arith.addi %scan3A_13, %scan3A_14 : i32
    %scan3A_16 = arith.constant 1 : i32
    scf.for %scan3A_28 = %scan3A_13 to %scan3A_15 step %scan3A_16  : i32 {
      %mul3A_29 = arith.constant 2 : i32
      %mul3A_30 = arith.muli %mul3A_29, %scan3A_28 : i32
      %add3A_31 = arith.constant 1 : i32
      %add3A_32 = arith.addi %mul3A_30, %add3A_31 : i32
      %mul3A_33 = arith.constant 80 : i32
      %mul3A_34 = arith.muli %add3A_32, %mul3A_33 : i32
      %dma_start3A_35 = tpu.memref_slice %arg7[%mul3A_34] : memref<10000xi32, #tpu.memory_space<vmem>> -> memref<80xi32, #tpu.memory_space<vmem>>
      %dma_start3A_36 = arith.constant 0 : i32
      %dma_start3A_37 = arith.constant 0 : i32
      %dma_start3A_38 = tpu.memref_slice %arg2[%dma_start3A_36, %dma_start3A_37] : memref<10000x128xf32, #tpu.memory_space<hbm>> -> memref<10000x128xf32, #tpu.memory_space<hbm>>
      tpu.enqueue_indirect_dma source(%dma_start3A_38 : memref<10000x128xf32, #tpu.memory_space<hbm>>) target(%arg10 : memref<80x128xf32, #tpu.memory_space<vmem>>) offsets(%dma_start3A_35 : memref<80xi32, #tpu.memory_space<vmem>>) semaphore(%arg12 : memref<!tpu.dma_semaphore, #tpu.memory_space<semaphore_mem>>)
      %dma_wait3A_39 = arith.constant 0 : i32
      %dma_wait3A_40 = tpu.memref_slice %arg7[%dma_wait3A_39] : memref<10000xi32, #tpu.memory_space<vmem>> -> memref<80xi32, #tpu.memory_space<vmem>>
      %dma_wait3A_41 = arith.constant 0 : i32
      %dma_wait3A_42 = arith.constant 0 : i32
      %dma_wait3A_43 = tpu.memref_slice %arg2[%dma_wait3A_41, %dma_wait3A_42] : memref<10000x128xf32, #tpu.memory_space<hbm>> -> memref<10000x128xf32, #tpu.memory_space<hbm>>
      tpu.wait_indirect_dma semaphore(%arg11 : memref<!tpu.dma_semaphore, #tpu.memory_space<semaphore_mem>>) src(%dma_wait3A_43 : memref<10000x128xf32, #tpu.memory_space<hbm>>) dst(%arg9 : memref<80x128xf32, #tpu.memory_space<vmem>>)
      %sub3A = arith.constant 1 : i32
      %sub3A_44 = arith.subi %add3A_32, %sub3A : i32
      %mul3A_45 = arith.constant 80 : i32
      %mul3A_46 = arith.muli %sub3A_44, %mul3A_45 : i32
      "tpu.region"() ({
        %run_scoped3A = tpu.sem_alloc : memref<!tpu.dma_semaphore, #tpu.memory_space<semaphore_mem>>
        %dma_start3A_62 = tpu.memref_slice %arg8[%mul3A_46] : memref<10000xi32, #tpu.memory_space<vmem>> -> memref<80xi32, #tpu.memory_space<vmem>>
        %dma_start3A_63 = arith.constant 0 : i32
        %dma_start3A_64 = arith.constant 0 : i32
        %dma_start3A_65 = tpu.memref_slice %arg13[%dma_start3A_63, %dma_start3A_64] : memref<10000x128xf32, #tpu.memory_space<vmem_shared>> -> memref<10000x128xf32, #tpu.memory_space<vmem_shared>>
        tpu.enqueue_indirect_dma source(%arg9 : memref<80x128xf32, #tpu.memory_space<vmem>>) target(%dma_start3A_65 : memref<10000x128xf32, #tpu.memory_space<vmem_shared>>) offsets(%dma_start3A_62 : memref<80xi32, #tpu.memory_space<vmem>>) semaphore(%run_scoped3A : memref<!tpu.dma_semaphore, #tpu.memory_space<semaphore_mem>>) {add = true}
        %dma_wait3A_66 = tpu.memref_slice %arg8[%mul3A_46] : memref<10000xi32, #tpu.memory_space<vmem>> -> memref<80xi32, #tpu.memory_space<vmem>>
        %dma_wait3A_67 = arith.constant 0 : i32
        %dma_wait3A_68 = arith.constant 0 : i32
        %dma_wait3A_69 = tpu.memref_slice %arg13[%dma_wait3A_67, %dma_wait3A_68] : memref<10000x128xf32, #tpu.memory_space<vmem_shared>> -> memref<10000x128xf32, #tpu.memory_space<vmem_shared>>
        tpu.wait_indirect_dma semaphore(%run_scoped3A : memref<!tpu.dma_semaphore, #tpu.memory_space<semaphore_mem>>) src(%arg9 : memref<80x128xf32, #tpu.memory_space<vmem>>) dst(%dma_wait3A_69 : memref<10000x128xf32, #tpu.memory_space<vmem_shared>>)
        tpu.yield
      }) : () -> ()
      %add3A_47 = arith.constant 1 : i32
      %add3A_48 = arith.addi %add3A_32, %add3A_47 : i32
      %mul3A_49 = arith.constant 80 : i32
      %mul3A_50 = arith.muli %add3A_48, %mul3A_49 : i32
      %dma_start3A_51 = tpu.memref_slice %arg7[%mul3A_50] : memref<10000xi32, #tpu.memory_space<vmem>> -> memref<80xi32, #tpu.memory_space<vmem>>
      %dma_start3A_52 = arith.constant 0 : i32
      %dma_start3A_53 = arith.constant 0 : i32
      %dma_start3A_54 = tpu.memref_slice %arg2[%dma_start3A_52, %dma_start3A_53] : memref<10000x128xf32, #tpu.memory_space<hbm>> -> memref<10000x128xf32, #tpu.memory_space<hbm>>
      tpu.enqueue_indirect_dma source(%dma_start3A_54 : memref<10000x128xf32, #tpu.memory_space<hbm>>) target(%arg9 : memref<80x128xf32, #tpu.memory_space<vmem>>) offsets(%dma_start3A_51 : memref<80xi32, #tpu.memory_space<vmem>>) semaphore(%arg11 : memref<!tpu.dma_semaphore, #tpu.memory_space<semaphore_mem>>)
      %dma_wait3A_55 = arith.constant 0 : i32
      %dma_wait3A_56 = tpu.memref_slice %arg7[%dma_wait3A_55] : memref<10000xi32, #tpu.memory_space<vmem>> -> memref<80xi32, #tpu.memory_space<vmem>>
      %dma_wait3A_57 = arith.constant 0 : i32
      %dma_wait3A_58 = arith.constant 0 : i32
      %dma_wait3A_59 = tpu.memref_slice %arg2[%dma_wait3A_57, %dma_wait3A_58] : memref<10000x128xf32, #tpu.memory_space<hbm>> -> memref<10000x128xf32, #tpu.memory_space<hbm>>
      tpu.wait_indirect_dma semaphore(%arg12 : memref<!tpu.dma_semaphore, #tpu.memory_space<semaphore_mem>>) src(%dma_wait3A_59 : memref<10000x128xf32, #tpu.memory_space<hbm>>) dst(%arg10 : memref<80x128xf32, #tpu.memory_space<vmem>>)
      %mul3A_60 = arith.constant 80 : i32
      %mul3A_61 = arith.muli %add3A_32, %mul3A_60 : i32
      "tpu.region"() ({
        %run_scoped3A = tpu.sem_alloc : memref<!tpu.dma_semaphore, #tpu.memory_space<semaphore_mem>>
        %dma_start3A_62 = tpu.memref_slice %arg8[%mul3A_61] : memref<10000xi32, #tpu.memory_space<vmem>> -> memref<80xi32, #tpu.memory_space<vmem>>
        %dma_start3A_63 = arith.constant 0 : i32
        %dma_start3A_64 = arith.constant 0 : i32
        %dma_start3A_65 = tpu.memref_slice %arg13[%dma_start3A_63, %dma_start3A_64] : memref<10000x128xf32, #tpu.memory_space<vmem_shared>> -> memref<10000x128xf32, #tpu.memory_space<vmem_shared>>
        tpu.enqueue_indirect_dma source(%arg10 : memref<80x128xf32, #tpu.memory_space<vmem>>) target(%dma_start3A_65 : memref<10000x128xf32, #tpu.memory_space<vmem_shared>>) offsets(%dma_start3A_62 : memref<80xi32, #tpu.memory_space<vmem>>) semaphore(%run_scoped3A : memref<!tpu.dma_semaphore, #tpu.memory_space<semaphore_mem>>) {add = true}
        %dma_wait3A_66 = tpu.memref_slice %arg8[%mul3A_61] : memref<10000xi32, #tpu.memory_space<vmem>> -> memref<80xi32, #tpu.memory_space<vmem>>
        %dma_wait3A_67 = arith.constant 0 : i32
        %dma_wait3A_68 = arith.constant 0 : i32
        %dma_wait3A_69 = tpu.memref_slice %arg13[%dma_wait3A_67, %dma_wait3A_68] : memref<10000x128xf32, #tpu.memory_space<vmem_shared>> -> memref<10000x128xf32, #tpu.memory_space<vmem_shared>>
        tpu.wait_indirect_dma semaphore(%run_scoped3A : memref<!tpu.dma_semaphore, #tpu.memory_space<semaphore_mem>>) src(%arg10 : memref<80x128xf32, #tpu.memory_space<vmem>>) dst(%dma_wait3A_69 : memref<10000x128xf32, #tpu.memory_space<vmem_shared>>)
        tpu.yield
      }) : () -> ()
    }
    %scan3A_17 = arith.constant 62 : i32
    %dma_wait3A = arith.constant 0 : i32
    %dma_wait3A_18 = tpu.memref_slice %arg7[%dma_wait3A] : memref<10000xi32, #tpu.memory_space<vmem>> -> memref<80xi32, #tpu.memory_space<vmem>>
    %dma_wait3A_19 = arith.constant 0 : i32
    %dma_wait3A_20 = arith.constant 0 : i32
    %dma_wait3A_21 = tpu.memref_slice %arg2[%dma_wait3A_19, %dma_wait3A_20] : memref<10000x128xf32, #tpu.memory_space<hbm>> -> memref<10000x128xf32, #tpu.memory_space<hbm>>
    tpu.wait_indirect_dma semaphore(%arg11 : memref<!tpu.dma_semaphore, #tpu.memory_space<semaphore_mem>>) src(%dma_wait3A_21 : memref<10000x128xf32, #tpu.memory_space<hbm>>) dst(%arg9 : memref<80x128xf32, #tpu.memory_space<vmem>>)
    "tpu.region"() ({
      %run_scoped3A = tpu.sem_alloc : memref<!tpu.dma_semaphore, #tpu.memory_space<semaphore_mem>>
      %dma_start3A_28 = arith.constant 9920 : i32
      %dma_start3A_29 = tpu.memref_slice %arg8[%dma_start3A_28] : memref<10000xi32, #tpu.memory_space<vmem>> -> memref<80xi32, #tpu.memory_space<vmem>>
      %dma_start3A_30 = arith.constant 0 : i32
      %dma_start3A_31 = arith.constant 0 : i32
      %dma_start3A_32 = tpu.memref_slice %arg13[%dma_start3A_30, %dma_start3A_31] : memref<10000x128xf32, #tpu.memory_space<vmem_shared>> -> memref<10000x128xf32, #tpu.memory_space<vmem_shared>>
      tpu.enqueue_indirect_dma source(%arg9 : memref<80x128xf32, #tpu.memory_space<vmem>>) target(%dma_start3A_32 : memref<10000x128xf32, #tpu.memory_space<vmem_shared>>) offsets(%dma_start3A_29 : memref<80xi32, #tpu.memory_space<vmem>>) semaphore(%run_scoped3A : memref<!tpu.dma_semaphore, #tpu.memory_space<semaphore_mem>>) {add = true}
      %dma_wait3A_33 = arith.constant 9920 : i32
      %dma_wait3A_34 = tpu.memref_slice %arg8[%dma_wait3A_33] : memref<10000xi32, #tpu.memory_space<vmem>> -> memref<80xi32, #tpu.memory_space<vmem>>
      %dma_wait3A_35 = arith.constant 0 : i32
      %dma_wait3A_36 = arith.constant 0 : i32
      %dma_wait3A_37 = tpu.memref_slice %arg13[%dma_wait3A_35, %dma_wait3A_36] : memref<10000x128xf32, #tpu.memory_space<vmem_shared>> -> memref<10000x128xf32, #tpu.memory_space<vmem_shared>>
      tpu.wait_indirect_dma semaphore(%run_scoped3A : memref<!tpu.dma_semaphore, #tpu.memory_space<semaphore_mem>>) src(%arg9 : memref<80x128xf32, #tpu.memory_space<vmem>>) dst(%dma_wait3A_37 : memref<10000x128xf32, #tpu.memory_space<vmem_shared>>)
      tpu.yield
    }) : () -> ()
    %barrier3A_22 = arith.constant 0 : index
    tpu.barrier barrier_id(%barrier3A_22)
    %lt3A_23 = arith.constant 10 : i32
    %lt3A_24 = arith.cmpi slt, %arg1, %lt3A_23 : i32
    %convert_element_type3A_25 = arith.extui %lt3A_24 : i1 to i32
    %cond3A_26 = arith.constant 0 : i32
    %cond3A_27 = arith.cmpi ne, %convert_element_type3A_25, %cond3A_26 : i32
    scf.if %cond3A_27 {
      "tpu.region"() ({
        %run_scoped3A = tpu.sem_alloc : memref<!tpu.dma_semaphore, #tpu.memory_space<semaphore_mem>>
        %dma_start3A_28 = arith.constant 0 : i32
        %dma_start3A_29 = tpu.memref_slice %arg6[%arg0, %mul3A_2, %dma_start3A_28] : memref<2x10000x128xf32, #tpu.memory_space<hbm>> -> memref<1x1000x128xf32, #tpu.memory_space<hbm>>
        %dma_start3A_30 = tpu.memref_squeeze %dma_start3A_29 : memref<1x1000x128xf32, #tpu.memory_space<hbm>> -> memref<1000x128xf32, #tpu.memory_space<hbm>>
        %dma_start3A_31 = arith.constant 0 : i32
        %dma_start3A_32 = tpu.memref_slice %arg13[%mul3A_2, %dma_start3A_31] : memref<10000x128xf32, #tpu.memory_space<vmem_shared>> -> memref<1000x128xf32, #tpu.memory_space<vmem_shared>>
        tpu.enqueue_dma source(%dma_start3A_32 : memref<1000x128xf32, #tpu.memory_space<vmem_shared>>) target(%dma_start3A_30 : memref<1000x128xf32, #tpu.memory_space<hbm>>) target_semaphore(%run_scoped3A : memref<!tpu.dma_semaphore, #tpu.memory_space<semaphore_mem>>)
        %dma_wait3A_33 = arith.constant 0 : i32
        %dma_wait3A_34 = tpu.memref_slice %arg6[%arg0, %mul3A_2, %dma_wait3A_33] : memref<2x10000x128xf32, #tpu.memory_space<hbm>> -> memref<1x1000x128xf32, #tpu.memory_space<hbm>>
        %dma_wait3A_35 = tpu.memref_squeeze %dma_wait3A_34 : memref<1x1000x128xf32, #tpu.memory_space<hbm>> -> memref<1000x128xf32, #tpu.memory_space<hbm>>
        %dma_wait3A_36 = arith.constant 0 : i32
        %dma_wait3A_37 = tpu.memref_slice %arg13[%mul3A_2, %dma_wait3A_36] : memref<10000x128xf32, #tpu.memory_space<vmem_shared>> -> memref<1000x128xf32, #tpu.memory_space<vmem_shared>>
        tpu.wait_dma2 semaphore(%run_scoped3A : memref<!tpu.dma_semaphore, #tpu.memory_space<semaphore_mem>>) src(%dma_wait3A_37 : memref<1000x128xf32, #tpu.memory_space<vmem_shared>>) dst(%dma_wait3A_35 : memref<1000x128xf32, #tpu.memory_space<hbm>>)
        tpu.yield
      }) : () -> ()
    } else {
    }
    return
  }
}

#map = affine_map<(d0, d1) -> (0, 0)>
#map1 = affine_map<(d0, d1) -> (0)>
#map2 = affine_map<(d0, d1) -> (0, 0, 0)>
module attributes {stable_mosaic.version = 14 : i64} {
  func.func @_sc_agg_deg(%arg0: i32, %arg1: i32, %arg2: memref<10000x128xf32, #tpu.memory_space<hbm>>, %arg3: memref<320000xi32, #tpu.memory_space<hbm>>, %arg4: memref<320000xi32, #tpu.memory_space<hbm>>, %arg5: memref<40x128xf32, #tpu.memory_space<hbm>>, %arg6: memref<80x128xf32, #tpu.memory_space<hbm>>, %arg7: memref<2x10000x128xf32, #tpu.memory_space<hbm>>, %arg8: memref<2x10000x128xf32, #tpu.memory_space<hbm>>, %arg9: memref<10000xi32, #tpu.memory_space<vmem>>, %arg10: memref<10000xi32, #tpu.memory_space<vmem>>, %arg11: memref<80x128xf32, #tpu.memory_space<vmem>>, %arg12: memref<80x128xf32, #tpu.memory_space<vmem>>, %arg13: memref<!tpu.dma_semaphore, #tpu.memory_space<semaphore_mem>>, %arg14: memref<!tpu.dma_semaphore, #tpu.memory_space<semaphore_mem>>, %arg15: memref<10000x128xf32, #tpu.memory_space<vmem_shared>>) attributes {dimension_semantics = [#tpu.dimension_semantics<core_parallel>, #tpu.dimension_semantics<subcore_parallel>], iteration_bounds = array<i64: 2, 16>, scalar_prefetch = 0 : i64, scratch_operands = 7 : i64, tpu.core_type = #tpu.core_type<sc_vector_subcore>, window_params = [{transform_indices = #map}, {transform_indices = #map1}, {transform_indices = #map1}, {transform_indices = #map}, {transform_indices = #map}, {transform_indices = #map2}, {transform_indices = #map2}]} {
    %mul3A = arith.constant 16 : i32
    %mul3A_0 = arith.muli %arg0, %mul3A : i32
    %add3A = arith.addi %mul3A_0, %arg1 : i32
    %mul3A_1 = arith.constant 1000 : i32
    %mul3A_2 = arith.muli %arg1, %mul3A_1 : i32
    %lt3A = arith.constant 10 : i32
    %lt3A_3 = arith.cmpi slt, %arg1, %lt3A : i32
    %convert_element_type3A = arith.extui %lt3A_3 : i1 to i32
    %cond3A = arith.constant 0 : i32
    %cond3A_4 = arith.cmpi ne, %convert_element_type3A, %cond3A : i32
    scf.if %cond3A_4 {
      %scan3A_47 = arith.constant 0 : i32
      %scan3A_48 = arith.constant 0 : i32
      %scan3A_49 = arith.constant 25 : i32
      %scan3A_50 = arith.addi %scan3A_48, %scan3A_49 : i32
      %scan3A_51 = arith.constant 1 : i32
      scf.for %scan3A_53 = %scan3A_48 to %scan3A_50 step %scan3A_51  : i32 {
        %mul3A_54 = arith.constant 40 : i32
        %mul3A_55 = arith.muli %scan3A_53, %mul3A_54 : i32
        %add3A_56 = arith.addi %mul3A_2, %mul3A_55 : i32
        "tpu.region"() ({
          %run_scoped3A = tpu.sem_alloc : memref<!tpu.dma_semaphore, #tpu.memory_space<semaphore_mem>>
          %dma_start3A_57 = arith.constant 0 : i32
          %dma_start3A_58 = tpu.memref_slice %arg15[%add3A_56, %dma_start3A_57] : memref<10000x128xf32, #tpu.memory_space<vmem_shared>> -> memref<40x128xf32, #tpu.memory_space<vmem_shared>>
          tpu.enqueue_dma source(%arg5 : memref<40x128xf32, #tpu.memory_space<hbm>>) target(%dma_start3A_58 : memref<40x128xf32, #tpu.memory_space<vmem_shared>>) target_semaphore(%run_scoped3A : memref<!tpu.dma_semaphore, #tpu.memory_space<semaphore_mem>>)
          %dma_wait3A_59 = arith.constant 0 : i32
          %dma_wait3A_60 = tpu.memref_slice %arg15[%add3A_56, %dma_wait3A_59] : memref<10000x128xf32, #tpu.memory_space<vmem_shared>> -> memref<40x128xf32, #tpu.memory_space<vmem_shared>>
          tpu.wait_dma2 semaphore(%run_scoped3A : memref<!tpu.dma_semaphore, #tpu.memory_space<semaphore_mem>>) src(%arg5 : memref<40x128xf32, #tpu.memory_space<hbm>>) dst(%dma_wait3A_60 : memref<40x128xf32, #tpu.memory_space<vmem_shared>>)
          tpu.yield
        }) : () -> ()
      }
      %scan3A_52 = arith.constant 25 : i32
    } else {
    }
    %mul3A_5 = arith.constant 10000 : i32
    %mul3A_6 = arith.muli %add3A, %mul3A_5 : i32
    "tpu.region"() ({
      %run_scoped3A = tpu.sem_alloc : memref<!tpu.dma_semaphore, #tpu.memory_space<semaphore_mem>>
      %dma_start3A_47 = tpu.memref_slice %arg3[%mul3A_6] : memref<320000xi32, #tpu.memory_space<hbm>> -> memref<10000xi32, #tpu.memory_space<hbm>>
      %dma_start3A_48 = tpu.memref_slice %arg3[%mul3A_6] : memref<320000xi32, #tpu.memory_space<hbm>> -> memref<10000xi32, #tpu.memory_space<hbm>>
      tpu.enqueue_dma source(%dma_start3A_48 : memref<10000xi32, #tpu.memory_space<hbm>>) target(%arg9 : memref<10000xi32, #tpu.memory_space<vmem>>) target_semaphore(%run_scoped3A : memref<!tpu.dma_semaphore, #tpu.memory_space<semaphore_mem>>)
      %dma_wait3A_49 = tpu.memref_slice %arg3[%mul3A_6] : memref<320000xi32, #tpu.memory_space<hbm>> -> memref<10000xi32, #tpu.memory_space<hbm>>
      %dma_wait3A_50 = tpu.memref_slice %arg3[%mul3A_6] : memref<320000xi32, #tpu.memory_space<hbm>> -> memref<10000xi32, #tpu.memory_space<hbm>>
      tpu.wait_dma2 semaphore(%run_scoped3A : memref<!tpu.dma_semaphore, #tpu.memory_space<semaphore_mem>>) src(%dma_wait3A_50 : memref<10000xi32, #tpu.memory_space<hbm>>) dst(%arg9 : memref<10000xi32, #tpu.memory_space<vmem>>)
      tpu.yield
    }) : () -> ()
    %mul3A_7 = arith.constant 10000 : i32
    %mul3A_8 = arith.muli %add3A, %mul3A_7 : i32
    "tpu.region"() ({
      %run_scoped3A = tpu.sem_alloc : memref<!tpu.dma_semaphore, #tpu.memory_space<semaphore_mem>>
      %dma_start3A_47 = tpu.memref_slice %arg4[%mul3A_8] : memref<320000xi32, #tpu.memory_space<hbm>> -> memref<10000xi32, #tpu.memory_space<hbm>>
      %dma_start3A_48 = tpu.memref_slice %arg4[%mul3A_8] : memref<320000xi32, #tpu.memory_space<hbm>> -> memref<10000xi32, #tpu.memory_space<hbm>>
      tpu.enqueue_dma source(%dma_start3A_48 : memref<10000xi32, #tpu.memory_space<hbm>>) target(%arg10 : memref<10000xi32, #tpu.memory_space<vmem>>) target_semaphore(%run_scoped3A : memref<!tpu.dma_semaphore, #tpu.memory_space<semaphore_mem>>)
      %dma_wait3A_49 = tpu.memref_slice %arg4[%mul3A_8] : memref<320000xi32, #tpu.memory_space<hbm>> -> memref<10000xi32, #tpu.memory_space<hbm>>
      %dma_wait3A_50 = tpu.memref_slice %arg4[%mul3A_8] : memref<320000xi32, #tpu.memory_space<hbm>> -> memref<10000xi32, #tpu.memory_space<hbm>>
      tpu.wait_dma2 semaphore(%run_scoped3A : memref<!tpu.dma_semaphore, #tpu.memory_space<semaphore_mem>>) src(%dma_wait3A_50 : memref<10000xi32, #tpu.memory_space<hbm>>) dst(%arg10 : memref<10000xi32, #tpu.memory_space<vmem>>)
      tpu.yield
    }) : () -> ()
    "tpu.region"() ({
      %run_scoped3A = tpu.sem_alloc : memref<!tpu.dma_semaphore, #tpu.memory_space<semaphore_mem>>
      tpu.enqueue_dma source(%arg6 : memref<80x128xf32, #tpu.memory_space<hbm>>) target(%arg11 : memref<80x128xf32, #tpu.memory_space<vmem>>) target_semaphore(%run_scoped3A : memref<!tpu.dma_semaphore, #tpu.memory_space<semaphore_mem>>)
      tpu.wait_dma2 semaphore(%run_scoped3A : memref<!tpu.dma_semaphore, #tpu.memory_space<semaphore_mem>>) src(%arg6 : memref<80x128xf32, #tpu.memory_space<hbm>>) dst(%arg11 : memref<80x128xf32, #tpu.memory_space<vmem>>)
      tpu.yield
    }) : () -> ()
    %barrier3A = arith.constant 0 : index
    tpu.barrier barrier_id(%barrier3A)
    %scan3A = arith.constant 0 : i32
    %scan3A_9 = arith.constant 0 : i32
    %scan3A_10 = arith.constant 25 : i32
    %scan3A_11 = arith.addi %scan3A_9, %scan3A_10 : i32
    %scan3A_12 = arith.constant 1 : i32
    scf.for %scan3A_47 = %scan3A_9 to %scan3A_11 step %scan3A_12  : i32 {
      %mul3A_48 = arith.constant 5 : i32
      %mul3A_49 = arith.muli %scan3A_47, %mul3A_48 : i32
      %add3A_50 = arith.constant 0 : i32
      %add3A_51 = arith.addi %mul3A_49, %add3A_50 : i32
      %mul3A_52 = arith.constant 80 : i32
      %mul3A_53 = arith.muli %add3A_51, %mul3A_52 : i32
      %dma_start3A_54 = tpu.memref_slice %arg10[%mul3A_53] : memref<10000xi32, #tpu.memory_space<vmem>> -> memref<80xi32, #tpu.memory_space<vmem>>
      %dma_start3A_55 = arith.constant 0 : i32
      %dma_start3A_56 = arith.constant 0 : i32
      %dma_start3A_57 = tpu.memref_slice %arg15[%dma_start3A_55, %dma_start3A_56] : memref<10000x128xf32, #tpu.memory_space<vmem_shared>> -> memref<10000x128xf32, #tpu.memory_space<vmem_shared>>
      tpu.enqueue_indirect_dma source(%arg11 : memref<80x128xf32, #tpu.memory_space<vmem>>) target(%dma_start3A_57 : memref<10000x128xf32, #tpu.memory_space<vmem_shared>>) offsets(%dma_start3A_54 : memref<80xi32, #tpu.memory_space<vmem>>) semaphore(%arg13 : memref<!tpu.dma_semaphore, #tpu.memory_space<semaphore_mem>>) {add = true}
      %mul3A_58 = arith.constant 5 : i32
      %mul3A_59 = arith.muli %scan3A_47, %mul3A_58 : i32
      %add3A_60 = arith.constant 1 : i32
      %add3A_61 = arith.addi %mul3A_59, %add3A_60 : i32
      %mul3A_62 = arith.constant 80 : i32
      %mul3A_63 = arith.muli %add3A_61, %mul3A_62 : i32
      %dma_start3A_64 = tpu.memref_slice %arg10[%mul3A_63] : memref<10000xi32, #tpu.memory_space<vmem>> -> memref<80xi32, #tpu.memory_space<vmem>>
      %dma_start3A_65 = arith.constant 0 : i32
      %dma_start3A_66 = arith.constant 0 : i32
      %dma_start3A_67 = tpu.memref_slice %arg15[%dma_start3A_65, %dma_start3A_66] : memref<10000x128xf32, #tpu.memory_space<vmem_shared>> -> memref<10000x128xf32, #tpu.memory_space<vmem_shared>>
      tpu.enqueue_indirect_dma source(%arg11 : memref<80x128xf32, #tpu.memory_space<vmem>>) target(%dma_start3A_67 : memref<10000x128xf32, #tpu.memory_space<vmem_shared>>) offsets(%dma_start3A_64 : memref<80xi32, #tpu.memory_space<vmem>>) semaphore(%arg13 : memref<!tpu.dma_semaphore, #tpu.memory_space<semaphore_mem>>) {add = true}
      %mul3A_68 = arith.constant 5 : i32
      %mul3A_69 = arith.muli %scan3A_47, %mul3A_68 : i32
      %add3A_70 = arith.constant 2 : i32
      %add3A_71 = arith.addi %mul3A_69, %add3A_70 : i32
      %mul3A_72 = arith.constant 80 : i32
      %mul3A_73 = arith.muli %add3A_71, %mul3A_72 : i32
      %dma_start3A_74 = tpu.memref_slice %arg10[%mul3A_73] : memref<10000xi32, #tpu.memory_space<vmem>> -> memref<80xi32, #tpu.memory_space<vmem>>
      %dma_start3A_75 = arith.constant 0 : i32
      %dma_start3A_76 = arith.constant 0 : i32
      %dma_start3A_77 = tpu.memref_slice %arg15[%dma_start3A_75, %dma_start3A_76] : memref<10000x128xf32, #tpu.memory_space<vmem_shared>> -> memref<10000x128xf32, #tpu.memory_space<vmem_shared>>
      tpu.enqueue_indirect_dma source(%arg11 : memref<80x128xf32, #tpu.memory_space<vmem>>) target(%dma_start3A_77 : memref<10000x128xf32, #tpu.memory_space<vmem_shared>>) offsets(%dma_start3A_74 : memref<80xi32, #tpu.memory_space<vmem>>) semaphore(%arg13 : memref<!tpu.dma_semaphore, #tpu.memory_space<semaphore_mem>>) {add = true}
      %mul3A_78 = arith.constant 5 : i32
      %mul3A_79 = arith.muli %scan3A_47, %mul3A_78 : i32
      %add3A_80 = arith.constant 3 : i32
      %add3A_81 = arith.addi %mul3A_79, %add3A_80 : i32
      %mul3A_82 = arith.constant 80 : i32
      %mul3A_83 = arith.muli %add3A_81, %mul3A_82 : i32
      %dma_start3A_84 = tpu.memref_slice %arg10[%mul3A_83] : memref<10000xi32, #tpu.memory_space<vmem>> -> memref<80xi32, #tpu.memory_space<vmem>>
      %dma_start3A_85 = arith.constant 0 : i32
      %dma_start3A_86 = arith.constant 0 : i32
      %dma_start3A_87 = tpu.memref_slice %arg15[%dma_start3A_85, %dma_start3A_86] : memref<10000x128xf32, #tpu.memory_space<vmem_shared>> -> memref<10000x128xf32, #tpu.memory_space<vmem_shared>>
      tpu.enqueue_indirect_dma source(%arg11 : memref<80x128xf32, #tpu.memory_space<vmem>>) target(%dma_start3A_87 : memref<10000x128xf32, #tpu.memory_space<vmem_shared>>) offsets(%dma_start3A_84 : memref<80xi32, #tpu.memory_space<vmem>>) semaphore(%arg13 : memref<!tpu.dma_semaphore, #tpu.memory_space<semaphore_mem>>) {add = true}
      %mul3A_88 = arith.constant 5 : i32
      %mul3A_89 = arith.muli %scan3A_47, %mul3A_88 : i32
      %add3A_90 = arith.constant 4 : i32
      %add3A_91 = arith.addi %mul3A_89, %add3A_90 : i32
      %mul3A_92 = arith.constant 80 : i32
      %mul3A_93 = arith.muli %add3A_91, %mul3A_92 : i32
      %dma_start3A_94 = tpu.memref_slice %arg10[%mul3A_93] : memref<10000xi32, #tpu.memory_space<vmem>> -> memref<80xi32, #tpu.memory_space<vmem>>
      %dma_start3A_95 = arith.constant 0 : i32
      %dma_start3A_96 = arith.constant 0 : i32
      %dma_start3A_97 = tpu.memref_slice %arg15[%dma_start3A_95, %dma_start3A_96] : memref<10000x128xf32, #tpu.memory_space<vmem_shared>> -> memref<10000x128xf32, #tpu.memory_space<vmem_shared>>
      tpu.enqueue_indirect_dma source(%arg11 : memref<80x128xf32, #tpu.memory_space<vmem>>) target(%dma_start3A_97 : memref<10000x128xf32, #tpu.memory_space<vmem_shared>>) offsets(%dma_start3A_94 : memref<80xi32, #tpu.memory_space<vmem>>) semaphore(%arg13 : memref<!tpu.dma_semaphore, #tpu.memory_space<semaphore_mem>>) {add = true}
      %dma_wait3A_98 = tpu.memref_slice %arg10[%mul3A_53] : memref<10000xi32, #tpu.memory_space<vmem>> -> memref<80xi32, #tpu.memory_space<vmem>>
      %dma_wait3A_99 = arith.constant 0 : i32
      %dma_wait3A_100 = arith.constant 0 : i32
      %dma_wait3A_101 = tpu.memref_slice %arg15[%dma_wait3A_99, %dma_wait3A_100] : memref<10000x128xf32, #tpu.memory_space<vmem_shared>> -> memref<10000x128xf32, #tpu.memory_space<vmem_shared>>
      tpu.wait_indirect_dma semaphore(%arg13 : memref<!tpu.dma_semaphore, #tpu.memory_space<semaphore_mem>>) src(%arg11 : memref<80x128xf32, #tpu.memory_space<vmem>>) dst(%dma_wait3A_101 : memref<10000x128xf32, #tpu.memory_space<vmem_shared>>)
      %dma_wait3A_102 = tpu.memref_slice %arg10[%mul3A_63] : memref<10000xi32, #tpu.memory_space<vmem>> -> memref<80xi32, #tpu.memory_space<vmem>>
      %dma_wait3A_103 = arith.constant 0 : i32
      %dma_wait3A_104 = arith.constant 0 : i32
      %dma_wait3A_105 = tpu.memref_slice %arg15[%dma_wait3A_103, %dma_wait3A_104] : memref<10000x128xf32, #tpu.memory_space<vmem_shared>> -> memref<10000x128xf32, #tpu.memory_space<vmem_shared>>
      tpu.wait_indirect_dma semaphore(%arg13 : memref<!tpu.dma_semaphore, #tpu.memory_space<semaphore_mem>>) src(%arg11 : memref<80x128xf32, #tpu.memory_space<vmem>>) dst(%dma_wait3A_105 : memref<10000x128xf32, #tpu.memory_space<vmem_shared>>)
      %dma_wait3A_106 = tpu.memref_slice %arg10[%mul3A_73] : memref<10000xi32, #tpu.memory_space<vmem>> -> memref<80xi32, #tpu.memory_space<vmem>>
      %dma_wait3A_107 = arith.constant 0 : i32
      %dma_wait3A_108 = arith.constant 0 : i32
      %dma_wait3A_109 = tpu.memref_slice %arg15[%dma_wait3A_107, %dma_wait3A_108] : memref<10000x128xf32, #tpu.memory_space<vmem_shared>> -> memref<10000x128xf32, #tpu.memory_space<vmem_shared>>
      tpu.wait_indirect_dma semaphore(%arg13 : memref<!tpu.dma_semaphore, #tpu.memory_space<semaphore_mem>>) src(%arg11 : memref<80x128xf32, #tpu.memory_space<vmem>>) dst(%dma_wait3A_109 : memref<10000x128xf32, #tpu.memory_space<vmem_shared>>)
      %dma_wait3A_110 = tpu.memref_slice %arg10[%mul3A_83] : memref<10000xi32, #tpu.memory_space<vmem>> -> memref<80xi32, #tpu.memory_space<vmem>>
      %dma_wait3A_111 = arith.constant 0 : i32
      %dma_wait3A_112 = arith.constant 0 : i32
      %dma_wait3A_113 = tpu.memref_slice %arg15[%dma_wait3A_111, %dma_wait3A_112] : memref<10000x128xf32, #tpu.memory_space<vmem_shared>> -> memref<10000x128xf32, #tpu.memory_space<vmem_shared>>
      tpu.wait_indirect_dma semaphore(%arg13 : memref<!tpu.dma_semaphore, #tpu.memory_space<semaphore_mem>>) src(%arg11 : memref<80x128xf32, #tpu.memory_space<vmem>>) dst(%dma_wait3A_113 : memref<10000x128xf32, #tpu.memory_space<vmem_shared>>)
      %dma_wait3A_114 = tpu.memref_slice %arg10[%mul3A_93] : memref<10000xi32, #tpu.memory_space<vmem>> -> memref<80xi32, #tpu.memory_space<vmem>>
      %dma_wait3A_115 = arith.constant 0 : i32
      %dma_wait3A_116 = arith.constant 0 : i32
      %dma_wait3A_117 = tpu.memref_slice %arg15[%dma_wait3A_115, %dma_wait3A_116] : memref<10000x128xf32, #tpu.memory_space<vmem_shared>> -> memref<10000x128xf32, #tpu.memory_space<vmem_shared>>
      tpu.wait_indirect_dma semaphore(%arg13 : memref<!tpu.dma_semaphore, #tpu.memory_space<semaphore_mem>>) src(%arg11 : memref<80x128xf32, #tpu.memory_space<vmem>>) dst(%dma_wait3A_117 : memref<10000x128xf32, #tpu.memory_space<vmem_shared>>)
    }
    %scan3A_13 = arith.constant 25 : i32
    %barrier3A_14 = arith.constant 0 : index
    tpu.barrier barrier_id(%barrier3A_14)
    %lt3A_15 = arith.constant 10 : i32
    %lt3A_16 = arith.cmpi slt, %arg1, %lt3A_15 : i32
    %convert_element_type3A_17 = arith.extui %lt3A_16 : i1 to i32
    %cond3A_18 = arith.constant 0 : i32
    %cond3A_19 = arith.cmpi ne, %convert_element_type3A_17, %cond3A_18 : i32
    scf.if %cond3A_19 {
      "tpu.region"() ({
        %run_scoped3A = tpu.sem_alloc : memref<!tpu.dma_semaphore, #tpu.memory_space<semaphore_mem>>
        %dma_start3A_47 = arith.constant 0 : i32
        %dma_start3A_48 = tpu.memref_slice %arg8[%arg0, %mul3A_2, %dma_start3A_47] : memref<2x10000x128xf32, #tpu.memory_space<hbm>> -> memref<1x1000x128xf32, #tpu.memory_space<hbm>>
        %dma_start3A_49 = tpu.memref_squeeze %dma_start3A_48 : memref<1x1000x128xf32, #tpu.memory_space<hbm>> -> memref<1000x128xf32, #tpu.memory_space<hbm>>
        %dma_start3A_50 = arith.constant 0 : i32
        %dma_start3A_51 = tpu.memref_slice %arg15[%mul3A_2, %dma_start3A_50] : memref<10000x128xf32, #tpu.memory_space<vmem_shared>> -> memref<1000x128xf32, #tpu.memory_space<vmem_shared>>
        tpu.enqueue_dma source(%dma_start3A_51 : memref<1000x128xf32, #tpu.memory_space<vmem_shared>>) target(%dma_start3A_49 : memref<1000x128xf32, #tpu.memory_space<hbm>>) target_semaphore(%run_scoped3A : memref<!tpu.dma_semaphore, #tpu.memory_space<semaphore_mem>>)
        %dma_wait3A_52 = arith.constant 0 : i32
        %dma_wait3A_53 = tpu.memref_slice %arg8[%arg0, %mul3A_2, %dma_wait3A_52] : memref<2x10000x128xf32, #tpu.memory_space<hbm>> -> memref<1x1000x128xf32, #tpu.memory_space<hbm>>
        %dma_wait3A_54 = tpu.memref_squeeze %dma_wait3A_53 : memref<1x1000x128xf32, #tpu.memory_space<hbm>> -> memref<1000x128xf32, #tpu.memory_space<hbm>>
        %dma_wait3A_55 = arith.constant 0 : i32
        %dma_wait3A_56 = tpu.memref_slice %arg15[%mul3A_2, %dma_wait3A_55] : memref<10000x128xf32, #tpu.memory_space<vmem_shared>> -> memref<1000x128xf32, #tpu.memory_space<vmem_shared>>
        tpu.wait_dma2 semaphore(%run_scoped3A : memref<!tpu.dma_semaphore, #tpu.memory_space<semaphore_mem>>) src(%dma_wait3A_56 : memref<1000x128xf32, #tpu.memory_space<vmem_shared>>) dst(%dma_wait3A_54 : memref<1000x128xf32, #tpu.memory_space<hbm>>)
        tpu.yield
      }) : () -> ()
    } else {
    }
    %barrier3A_20 = arith.constant 0 : index
    tpu.barrier barrier_id(%barrier3A_20)
    %lt3A_21 = arith.constant 10 : i32
    %lt3A_22 = arith.cmpi slt, %arg1, %lt3A_21 : i32
    %convert_element_type3A_23 = arith.extui %lt3A_22 : i1 to i32
    %cond3A_24 = arith.constant 0 : i32
    %cond3A_25 = arith.cmpi ne, %convert_element_type3A_23, %cond3A_24 : i32
    scf.if %cond3A_25 {
      %scan3A_47 = arith.constant 0 : i32
      %scan3A_48 = arith.constant 0 : i32
      %scan3A_49 = arith.constant 25 : i32
      %scan3A_50 = arith.addi %scan3A_48, %scan3A_49 : i32
      %scan3A_51 = arith.constant 1 : i32
      scf.for %scan3A_53 = %scan3A_48 to %scan3A_50 step %scan3A_51  : i32 {
        %mul3A_54 = arith.constant 40 : i32
        %mul3A_55 = arith.muli %scan3A_53, %mul3A_54 : i32
        %add3A_56 = arith.addi %mul3A_2, %mul3A_55 : i32
        "tpu.region"() ({
          %run_scoped3A = tpu.sem_alloc : memref<!tpu.dma_semaphore, #tpu.memory_space<semaphore_mem>>
          %dma_start3A_57 = arith.constant 0 : i32
          %dma_start3A_58 = tpu.memref_slice %arg15[%add3A_56, %dma_start3A_57] : memref<10000x128xf32, #tpu.memory_space<vmem_shared>> -> memref<40x128xf32, #tpu.memory_space<vmem_shared>>
          tpu.enqueue_dma source(%arg5 : memref<40x128xf32, #tpu.memory_space<hbm>>) target(%dma_start3A_58 : memref<40x128xf32, #tpu.memory_space<vmem_shared>>) target_semaphore(%run_scoped3A : memref<!tpu.dma_semaphore, #tpu.memory_space<semaphore_mem>>)
          %dma_wait3A_59 = arith.constant 0 : i32
          %dma_wait3A_60 = tpu.memref_slice %arg15[%add3A_56, %dma_wait3A_59] : memref<10000x128xf32, #tpu.memory_space<vmem_shared>> -> memref<40x128xf32, #tpu.memory_space<vmem_shared>>
          tpu.wait_dma2 semaphore(%run_scoped3A : memref<!tpu.dma_semaphore, #tpu.memory_space<semaphore_mem>>) src(%arg5 : memref<40x128xf32, #tpu.memory_space<hbm>>) dst(%dma_wait3A_60 : memref<40x128xf32, #tpu.memory_space<vmem_shared>>)
          tpu.yield
        }) : () -> ()
      }
      %scan3A_52 = arith.constant 25 : i32
    } else {
    }
    %barrier3A_26 = arith.constant 0 : index
    tpu.barrier barrier_id(%barrier3A_26)
    %dma_start3A = arith.constant 0 : i32
    %dma_start3A_27 = tpu.memref_slice %arg9[%dma_start3A] : memref<10000xi32, #tpu.memory_space<vmem>> -> memref<80xi32, #tpu.memory_space<vmem>>
    %dma_start3A_28 = arith.constant 0 : i32
    %dma_start3A_29 = arith.constant 0 : i32
    %dma_start3A_30 = tpu.memref_slice %arg2[%dma_start3A_28, %dma_start3A_29] : memref<10000x128xf32, #tpu.memory_space<hbm>> -> memref<10000x128xf32, #tpu.memory_space<hbm>>
    tpu.enqueue_indirect_dma source(%dma_start3A_30 : memref<10000x128xf32, #tpu.memory_space<hbm>>) target(%arg11 : memref<80x128xf32, #tpu.memory_space<vmem>>) offsets(%dma_start3A_27 : memref<80xi32, #tpu.memory_space<vmem>>) semaphore(%arg13 : memref<!tpu.dma_semaphore, #tpu.memory_space<semaphore_mem>>)
    %scan3A_31 = arith.constant 0 : i32
    %scan3A_32 = arith.constant 0 : i32
    %scan3A_33 = arith.constant 62 : i32
    %scan3A_34 = arith.addi %scan3A_32, %scan3A_33 : i32
    %scan3A_35 = arith.constant 1 : i32
    scf.for %scan3A_47 = %scan3A_32 to %scan3A_34 step %scan3A_35  : i32 {
      %mul3A_48 = arith.constant 2 : i32
      %mul3A_49 = arith.muli %mul3A_48, %scan3A_47 : i32
      %add3A_50 = arith.constant 1 : i32
      %add3A_51 = arith.addi %mul3A_49, %add3A_50 : i32
      %mul3A_52 = arith.constant 80 : i32
      %mul3A_53 = arith.muli %add3A_51, %mul3A_52 : i32
      %dma_start3A_54 = tpu.memref_slice %arg9[%mul3A_53] : memref<10000xi32, #tpu.memory_space<vmem>> -> memref<80xi32, #tpu.memory_space<vmem>>
      %dma_start3A_55 = arith.constant 0 : i32
      %dma_start3A_56 = arith.constant 0 : i32
      %dma_start3A_57 = tpu.memref_slice %arg2[%dma_start3A_55, %dma_start3A_56] : memref<10000x128xf32, #tpu.memory_space<hbm>> -> memref<10000x128xf32, #tpu.memory_space<hbm>>
      tpu.enqueue_indirect_dma source(%dma_start3A_57 : memref<10000x128xf32, #tpu.memory_space<hbm>>) target(%arg12 : memref<80x128xf32, #tpu.memory_space<vmem>>) offsets(%dma_start3A_54 : memref<80xi32, #tpu.memory_space<vmem>>) semaphore(%arg14 : memref<!tpu.dma_semaphore, #tpu.memory_space<semaphore_mem>>)
      %dma_wait3A_58 = arith.constant 0 : i32
      %dma_wait3A_59 = tpu.memref_slice %arg9[%dma_wait3A_58] : memref<10000xi32, #tpu.memory_space<vmem>> -> memref<80xi32, #tpu.memory_space<vmem>>
      %dma_wait3A_60 = arith.constant 0 : i32
      %dma_wait3A_61 = arith.constant 0 : i32
      %dma_wait3A_62 = tpu.memref_slice %arg2[%dma_wait3A_60, %dma_wait3A_61] : memref<10000x128xf32, #tpu.memory_space<hbm>> -> memref<10000x128xf32, #tpu.memory_space<hbm>>
      tpu.wait_indirect_dma semaphore(%arg13 : memref<!tpu.dma_semaphore, #tpu.memory_space<semaphore_mem>>) src(%dma_wait3A_62 : memref<10000x128xf32, #tpu.memory_space<hbm>>) dst(%arg11 : memref<80x128xf32, #tpu.memory_space<vmem>>)
      %sub3A = arith.constant 1 : i32
      %sub3A_63 = arith.subi %add3A_51, %sub3A : i32
      %mul3A_64 = arith.constant 80 : i32
      %mul3A_65 = arith.muli %sub3A_63, %mul3A_64 : i32
      "tpu.region"() ({
        %run_scoped3A = tpu.sem_alloc : memref<!tpu.dma_semaphore, #tpu.memory_space<semaphore_mem>>
        %dma_start3A_81 = tpu.memref_slice %arg10[%mul3A_65] : memref<10000xi32, #tpu.memory_space<vmem>> -> memref<80xi32, #tpu.memory_space<vmem>>
        %dma_start3A_82 = arith.constant 0 : i32
        %dma_start3A_83 = arith.constant 0 : i32
        %dma_start3A_84 = tpu.memref_slice %arg15[%dma_start3A_82, %dma_start3A_83] : memref<10000x128xf32, #tpu.memory_space<vmem_shared>> -> memref<10000x128xf32, #tpu.memory_space<vmem_shared>>
        tpu.enqueue_indirect_dma source(%arg11 : memref<80x128xf32, #tpu.memory_space<vmem>>) target(%dma_start3A_84 : memref<10000x128xf32, #tpu.memory_space<vmem_shared>>) offsets(%dma_start3A_81 : memref<80xi32, #tpu.memory_space<vmem>>) semaphore(%run_scoped3A : memref<!tpu.dma_semaphore, #tpu.memory_space<semaphore_mem>>) {add = true}
        %dma_wait3A_85 = tpu.memref_slice %arg10[%mul3A_65] : memref<10000xi32, #tpu.memory_space<vmem>> -> memref<80xi32, #tpu.memory_space<vmem>>
        %dma_wait3A_86 = arith.constant 0 : i32
        %dma_wait3A_87 = arith.constant 0 : i32
        %dma_wait3A_88 = tpu.memref_slice %arg15[%dma_wait3A_86, %dma_wait3A_87] : memref<10000x128xf32, #tpu.memory_space<vmem_shared>> -> memref<10000x128xf32, #tpu.memory_space<vmem_shared>>
        tpu.wait_indirect_dma semaphore(%run_scoped3A : memref<!tpu.dma_semaphore, #tpu.memory_space<semaphore_mem>>) src(%arg11 : memref<80x128xf32, #tpu.memory_space<vmem>>) dst(%dma_wait3A_88 : memref<10000x128xf32, #tpu.memory_space<vmem_shared>>)
        tpu.yield
      }) : () -> ()
      %add3A_66 = arith.constant 1 : i32
      %add3A_67 = arith.addi %add3A_51, %add3A_66 : i32
      %mul3A_68 = arith.constant 80 : i32
      %mul3A_69 = arith.muli %add3A_67, %mul3A_68 : i32
      %dma_start3A_70 = tpu.memref_slice %arg9[%mul3A_69] : memref<10000xi32, #tpu.memory_space<vmem>> -> memref<80xi32, #tpu.memory_space<vmem>>
      %dma_start3A_71 = arith.constant 0 : i32
      %dma_start3A_72 = arith.constant 0 : i32
      %dma_start3A_73 = tpu.memref_slice %arg2[%dma_start3A_71, %dma_start3A_72] : memref<10000x128xf32, #tpu.memory_space<hbm>> -> memref<10000x128xf32, #tpu.memory_space<hbm>>
      tpu.enqueue_indirect_dma source(%dma_start3A_73 : memref<10000x128xf32, #tpu.memory_space<hbm>>) target(%arg11 : memref<80x128xf32, #tpu.memory_space<vmem>>) offsets(%dma_start3A_70 : memref<80xi32, #tpu.memory_space<vmem>>) semaphore(%arg13 : memref<!tpu.dma_semaphore, #tpu.memory_space<semaphore_mem>>)
      %dma_wait3A_74 = arith.constant 0 : i32
      %dma_wait3A_75 = tpu.memref_slice %arg9[%dma_wait3A_74] : memref<10000xi32, #tpu.memory_space<vmem>> -> memref<80xi32, #tpu.memory_space<vmem>>
      %dma_wait3A_76 = arith.constant 0 : i32
      %dma_wait3A_77 = arith.constant 0 : i32
      %dma_wait3A_78 = tpu.memref_slice %arg2[%dma_wait3A_76, %dma_wait3A_77] : memref<10000x128xf32, #tpu.memory_space<hbm>> -> memref<10000x128xf32, #tpu.memory_space<hbm>>
      tpu.wait_indirect_dma semaphore(%arg14 : memref<!tpu.dma_semaphore, #tpu.memory_space<semaphore_mem>>) src(%dma_wait3A_78 : memref<10000x128xf32, #tpu.memory_space<hbm>>) dst(%arg12 : memref<80x128xf32, #tpu.memory_space<vmem>>)
      %mul3A_79 = arith.constant 80 : i32
      %mul3A_80 = arith.muli %add3A_51, %mul3A_79 : i32
      "tpu.region"() ({
        %run_scoped3A = tpu.sem_alloc : memref<!tpu.dma_semaphore, #tpu.memory_space<semaphore_mem>>
        %dma_start3A_81 = tpu.memref_slice %arg10[%mul3A_80] : memref<10000xi32, #tpu.memory_space<vmem>> -> memref<80xi32, #tpu.memory_space<vmem>>
        %dma_start3A_82 = arith.constant 0 : i32
        %dma_start3A_83 = arith.constant 0 : i32
        %dma_start3A_84 = tpu.memref_slice %arg15[%dma_start3A_82, %dma_start3A_83] : memref<10000x128xf32, #tpu.memory_space<vmem_shared>> -> memref<10000x128xf32, #tpu.memory_space<vmem_shared>>
        tpu.enqueue_indirect_dma source(%arg12 : memref<80x128xf32, #tpu.memory_space<vmem>>) target(%dma_start3A_84 : memref<10000x128xf32, #tpu.memory_space<vmem_shared>>) offsets(%dma_start3A_81 : memref<80xi32, #tpu.memory_space<vmem>>) semaphore(%run_scoped3A : memref<!tpu.dma_semaphore, #tpu.memory_space<semaphore_mem>>) {add = true}
        %dma_wait3A_85 = tpu.memref_slice %arg10[%mul3A_80] : memref<10000xi32, #tpu.memory_space<vmem>> -> memref<80xi32, #tpu.memory_space<vmem>>
        %dma_wait3A_86 = arith.constant 0 : i32
        %dma_wait3A_87 = arith.constant 0 : i32
        %dma_wait3A_88 = tpu.memref_slice %arg15[%dma_wait3A_86, %dma_wait3A_87] : memref<10000x128xf32, #tpu.memory_space<vmem_shared>> -> memref<10000x128xf32, #tpu.memory_space<vmem_shared>>
        tpu.wait_indirect_dma semaphore(%run_scoped3A : memref<!tpu.dma_semaphore, #tpu.memory_space<semaphore_mem>>) src(%arg12 : memref<80x128xf32, #tpu.memory_space<vmem>>) dst(%dma_wait3A_88 : memref<10000x128xf32, #tpu.memory_space<vmem_shared>>)
        tpu.yield
      }) : () -> ()
    }
    %scan3A_36 = arith.constant 62 : i32
    %dma_wait3A = arith.constant 0 : i32
    %dma_wait3A_37 = tpu.memref_slice %arg9[%dma_wait3A] : memref<10000xi32, #tpu.memory_space<vmem>> -> memref<80xi32, #tpu.memory_space<vmem>>
    %dma_wait3A_38 = arith.constant 0 : i32
    %dma_wait3A_39 = arith.constant 0 : i32
    %dma_wait3A_40 = tpu.memref_slice %arg2[%dma_wait3A_38, %dma_wait3A_39] : memref<10000x128xf32, #tpu.memory_space<hbm>> -> memref<10000x128xf32, #tpu.memory_space<hbm>>
    tpu.wait_indirect_dma semaphore(%arg13 : memref<!tpu.dma_semaphore, #tpu.memory_space<semaphore_mem>>) src(%dma_wait3A_40 : memref<10000x128xf32, #tpu.memory_space<hbm>>) dst(%arg11 : memref<80x128xf32, #tpu.memory_space<vmem>>)
    "tpu.region"() ({
      %run_scoped3A = tpu.sem_alloc : memref<!tpu.dma_semaphore, #tpu.memory_space<semaphore_mem>>
      %dma_start3A_47 = arith.constant 9920 : i32
      %dma_start3A_48 = tpu.memref_slice %arg10[%dma_start3A_47] : memref<10000xi32, #tpu.memory_space<vmem>> -> memref<80xi32, #tpu.memory_space<vmem>>
      %dma_start3A_49 = arith.constant 0 : i32
      %dma_start3A_50 = arith.constant 0 : i32
      %dma_start3A_51 = tpu.memref_slice %arg15[%dma_start3A_49, %dma_start3A_50] : memref<10000x128xf32, #tpu.memory_space<vmem_shared>> -> memref<10000x128xf32, #tpu.memory_space<vmem_shared>>
      tpu.enqueue_indirect_dma source(%arg11 : memref<80x128xf32, #tpu.memory_space<vmem>>) target(%dma_start3A_51 : memref<10000x128xf32, #tpu.memory_space<vmem_shared>>) offsets(%dma_start3A_48 : memref<80xi32, #tpu.memory_space<vmem>>) semaphore(%run_scoped3A : memref<!tpu.dma_semaphore, #tpu.memory_space<semaphore_mem>>) {add = true}
      %dma_wait3A_52 = arith.constant 9920 : i32
      %dma_wait3A_53 = tpu.memref_slice %arg10[%dma_wait3A_52] : memref<10000xi32, #tpu.memory_space<vmem>> -> memref<80xi32, #tpu.memory_space<vmem>>
      %dma_wait3A_54 = arith.constant 0 : i32
      %dma_wait3A_55 = arith.constant 0 : i32
      %dma_wait3A_56 = tpu.memref_slice %arg15[%dma_wait3A_54, %dma_wait3A_55] : memref<10000x128xf32, #tpu.memory_space<vmem_shared>> -> memref<10000x128xf32, #tpu.memory_space<vmem_shared>>
      tpu.wait_indirect_dma semaphore(%run_scoped3A : memref<!tpu.dma_semaphore, #tpu.memory_space<semaphore_mem>>) src(%arg11 : memref<80x128xf32, #tpu.memory_space<vmem>>) dst(%dma_wait3A_56 : memref<10000x128xf32, #tpu.memory_space<vmem_shared>>)
      tpu.yield
    }) : () -> ()
    %barrier3A_41 = arith.constant 0 : index
    tpu.barrier barrier_id(%barrier3A_41)
    %lt3A_42 = arith.constant 10 : i32
    %lt3A_43 = arith.cmpi slt, %arg1, %lt3A_42 : i32
    %convert_element_type3A_44 = arith.extui %lt3A_43 : i1 to i32
    %cond3A_45 = arith.constant 0 : i32
    %cond3A_46 = arith.cmpi ne, %convert_element_type3A_44, %cond3A_45 : i32
    scf.if %cond3A_46 {
      "tpu.region"() ({
        %run_scoped3A = tpu.sem_alloc : memref<!tpu.dma_semaphore, #tpu.memory_space<semaphore_mem>>
        %dma_start3A_47 = arith.constant 0 : i32
        %dma_start3A_48 = tpu.memref_slice %arg7[%arg0, %mul3A_2, %dma_start3A_47] : memref<2x10000x128xf32, #tpu.memory_space<hbm>> -> memref<1x1000x128xf32, #tpu.memory_space<hbm>>
        %dma_start3A_49 = tpu.memref_squeeze %dma_start3A_48 : memref<1x1000x128xf32, #tpu.memory_space<hbm>> -> memref<1000x128xf32, #tpu.memory_space<hbm>>
        %dma_start3A_50 = arith.constant 0 : i32
        %dma_start3A_51 = tpu.memref_slice %arg15[%mul3A_2, %dma_start3A_50] : memref<10000x128xf32, #tpu.memory_space<vmem_shared>> -> memref<1000x128xf32, #tpu.memory_space<vmem_shared>>
        tpu.enqueue_dma source(%dma_start3A_51 : memref<1000x128xf32, #tpu.memory_space<vmem_shared>>) target(%dma_start3A_49 : memref<1000x128xf32, #tpu.memory_space<hbm>>) target_semaphore(%run_scoped3A : memref<!tpu.dma_semaphore, #tpu.memory_space<semaphore_mem>>)
        %dma_wait3A_52 = arith.constant 0 : i32
        %dma_wait3A_53 = tpu.memref_slice %arg7[%arg0, %mul3A_2, %dma_wait3A_52] : memref<2x10000x128xf32, #tpu.memory_space<hbm>> -> memref<1x1000x128xf32, #tpu.memory_space<hbm>>
        %dma_wait3A_54 = tpu.memref_squeeze %dma_wait3A_53 : memref<1x1000x128xf32, #tpu.memory_space<hbm>> -> memref<1000x128xf32, #tpu.memory_space<hbm>>
        %dma_wait3A_55 = arith.constant 0 : i32
        %dma_wait3A_56 = tpu.memref_slice %arg15[%mul3A_2, %dma_wait3A_55] : memref<10000x128xf32, #tpu.memory_space<vmem_shared>> -> memref<1000x128xf32, #tpu.memory_space<vmem_shared>>
        tpu.wait_dma2 semaphore(%run_scoped3A : memref<!tpu.dma_semaphore, #tpu.memory_space<semaphore_mem>>) src(%dma_wait3A_56 : memref<1000x128xf32, #tpu.memory_space<vmem_shared>>) dst(%dma_wait3A_54 : memref<1000x128xf32, #tpu.memory_space<hbm>>)
        tpu.yield
      }) : () -> ()
    } else {
    }
    return
  }
}

module attributes {stable_mosaic.version = 14 : i64} {
  func.func @_lambda_(%arg0: i32, %arg1: memref<2x400x128xf32, #tpu.memory_space<vmem>>, %arg2: memref<2x400x128xf32, #tpu.memory_space<vmem>>, %arg3: memref<400x128xf32, #tpu.memory_space<vmem>>, %arg4: memref<128x128xf32, #tpu.memory_space<vmem>>, %arg5: memref<1x128xf32, #tpu.memory_space<vmem>>, %arg6: memref<128x128xf32, #tpu.memory_space<vmem>>, %arg7: memref<400x128xf32, #tpu.memory_space<vmem>>, %arg8: memref<2x128xf32, #tpu.memory_space<vmem>>) attributes {dimension_semantics = [#tpu.dimension_semantics<arbitrary>], iteration_bounds = array<i64: 25>, scalar_prefetch = 0 : i64, scratch_operands = 0 : i64, tpu.core_type = #tpu.core_type<tc>, window_params = [{transform_indices = @transform_0, window_bounds = array<i64: 2, 400, 128>}, {transform_indices = @transform_1, window_bounds = array<i64: 2, 400, 128>}, {transform_indices = @transform_2, window_bounds = array<i64: 400, 128>}, {pipeline_mode = #tpu.pipeline_mode<synchronous>, transform_indices = @transform_3, window_bounds = array<i64: 128, 128>}, {pipeline_mode = #tpu.pipeline_mode<synchronous>, transform_indices = @transform_4, window_bounds = array<i64: 1, 128>}, {pipeline_mode = #tpu.pipeline_mode<synchronous>, transform_indices = @transform_5, window_bounds = array<i64: 128, 128>}, {transform_indices = @transform_6, window_bounds = array<i64: 400, 128>}, {pipeline_mode = #tpu.pipeline_mode<synchronous>, transform_indices = @transform_7, window_bounds = array<i64: 2, 128>}]} {
    %get3A = arith.constant 0 : index
    %get3A_0 = arith.constant 0 : index
    %get3A_1 = arith.constant 0 : index
    %get3A_2 = vector.load %arg1[%get3A, %get3A_0, %get3A_1] : memref<2x400x128xf32, #tpu.memory_space<vmem>>, vector<1x400x128xf32>
    %get3A_3 = vector.shape_cast %get3A_2 : vector<1x400x128xf32> to vector<400x128xf32>
    %get3A_4 = arith.constant 1 : index
    %get3A_5 = arith.constant 0 : index
    %get3A_6 = arith.constant 0 : index
    %get3A_7 = vector.load %arg1[%get3A_4, %get3A_5, %get3A_6] : memref<2x400x128xf32, #tpu.memory_space<vmem>>, vector<1x400x128xf32>
    %get3A_8 = vector.shape_cast %get3A_7 : vector<1x400x128xf32> to vector<400x128xf32>
    %add3A = arith.addf %get3A_3, %get3A_8 : vector<400x128xf32>
    %get3A_9 = arith.constant 0 : index
    %get3A_10 = arith.constant 0 : index
    %get3A_11 = arith.constant 0 : index
    %get3A_12 = vector.load %arg2[%get3A_9, %get3A_10, %get3A_11] : memref<2x400x128xf32, #tpu.memory_space<vmem>>, vector<1x400x1xf32>
    %get3A_13 = vector.shape_cast %get3A_12 : vector<1x400x1xf32> to vector<400x1xf32>
    %get3A_14 = arith.constant 1 : index
    %get3A_15 = arith.constant 0 : index
    %get3A_16 = arith.constant 0 : index
    %get3A_17 = vector.load %arg2[%get3A_14, %get3A_15, %get3A_16] : memref<2x400x128xf32, #tpu.memory_space<vmem>>, vector<1x400x1xf32>
    %get3A_18 = vector.shape_cast %get3A_17 : vector<1x400x1xf32> to vector<400x1xf32>
    %add3A_19 = arith.addf %get3A_13, %get3A_18 : vector<400x1xf32>
    %max3A = arith.constant 1.000000e+00 : f32
    %max3A_20 = vector.broadcast %max3A : f32 to vector<400x1xf32>
    %max3A_21 = arith.maximumf %add3A_19, %max3A_20 : vector<400x1xf32>
    %div3A = arith.constant 1.000000e+00 : f32
    %div3A_22 = vector.broadcast %div3A : f32 to vector<400x1xf32>
    %div3A_23 = arith.divf %div3A_22, %max3A_21 : vector<400x1xf32>
    %mul3A = vector.broadcast %div3A_23 : vector<400x1xf32> to vector<400x128xf32>
    %mul3A_24 = arith.mulf %add3A, %mul3A : vector<400x128xf32>
    %get3A_25 = arith.constant 0 : index
    %get3A_26 = arith.constant 0 : index
    %get3A_27 = vector.load %arg4[%get3A_25, %get3A_26] : memref<128x128xf32, #tpu.memory_space<vmem>>, vector<128x128xf32>
    %dot_general3A = arith.constant dense<0.000000e+00> : vector<400x128xf32>
    %dot_general3A_28 = tpu.matmul %mul3A_24, %get3A_27, %dot_general3A {dimension_numbers = #tpu.dot_dimension_numbers<[1], [0], [0], [1], [0, 0, 1, 1], [], []>, transpose_lhs_hint = false} : vector<400x128xf32>, vector<128x128xf32>, vector<400x128xf32> -> vector<400x128xf32>
    %get3A_29 = arith.constant 0 : index
    %get3A_30 = arith.constant 0 : index
    %get3A_31 = vector.load %arg3[%get3A_29, %get3A_30] : memref<400x128xf32, #tpu.memory_space<vmem>>, vector<400x128xf32>
    %get3A_32 = arith.constant 0 : index
    %get3A_33 = arith.constant 0 : index
    %get3A_34 = vector.load %arg6[%get3A_32, %get3A_33] : memref<128x128xf32, #tpu.memory_space<vmem>>, vector<128x128xf32>
    %dot_general3A_35 = arith.constant dense<0.000000e+00> : vector<400x128xf32>
    %dot_general3A_36 = tpu.matmul %get3A_31, %get3A_34, %dot_general3A_35 {dimension_numbers = #tpu.dot_dimension_numbers<[1], [0], [0], [1], [0, 0, 1, 1], [], []>, transpose_lhs_hint = false} : vector<400x128xf32>, vector<128x128xf32>, vector<400x128xf32> -> vector<400x128xf32>
    %add3A_37 = arith.addf %dot_general3A_28, %dot_general3A_36 : vector<400x128xf32>
    %get3A_38 = arith.constant 0 : index
    %get3A_39 = arith.constant 0 : index
    %get3A_40 = vector.load %arg5[%get3A_38, %get3A_39] : memref<1x128xf32, #tpu.memory_space<vmem>>, vector<1x128xf32>
    %add3A_41 = vector.broadcast %get3A_40 : vector<1x128xf32> to vector<400x128xf32>
    %add3A_42 = arith.addf %add3A_37, %add3A_41 : vector<400x128xf32>
    %swap3A = arith.constant 0 : index
    %swap3A_43 = arith.constant 0 : index
    %swap3A_44 = vector.load %arg7[%swap3A, %swap3A_43] : memref<400x128xf32, #tpu.memory_space<vmem>>, vector<400x128xf32>
    tpu.vector_store %arg7[%swap3A, %swap3A_43], %add3A_42 {strides = array<i32>} : memref<400x128xf32, #tpu.memory_space<vmem>>, vector<400x128xf32>,
    %reduce_sum3A = arith.constant dense<0.000000e+00> : vector<128xf32>
    %reduce_sum3A_45 = vector.multi_reduction <add>, %add3A_42, %reduce_sum3A [0] : vector<400x128xf32> to vector<128xf32>
    %broadcast_in_dim3A = vector.shape_cast %reduce_sum3A_45 : vector<128xf32> to vector<1x128xf32>
    %mul3A_46 = arith.mulf %add3A_42, %add3A_42 : vector<400x128xf32>
    %reduce_sum3A_47 = arith.constant dense<0.000000e+00> : vector<128xf32>
    %reduce_sum3A_48 = vector.multi_reduction <add>, %mul3A_46, %reduce_sum3A_47 [0] : vector<400x128xf32> to vector<128xf32>
    %broadcast_in_dim3A_49 = vector.shape_cast %reduce_sum3A_48 : vector<128xf32> to vector<1x128xf32>
    %eq3A = arith.constant 0 : i32
    %eq3A_50 = arith.cmpi eq, %arg0, %eq3A : i32
    %convert_element_type3A = arith.extui %eq3A_50 : i1 to i32
    %cond3A = arith.constant 0 : i32
    %cond3A_51 = arith.cmpi ne, %convert_element_type3A, %cond3A : i32
    scf.if %cond3A_51 {
      %swap3A_56 = arith.constant 0 : index
      %swap3A_57 = arith.constant 0 : index
      %swap3A_58 = vector.load %arg8[%swap3A_56, %swap3A_57] : memref<2x128xf32, #tpu.memory_space<vmem>>, vector<1x128xf32>
      tpu.vector_store %arg8[%swap3A_56, %swap3A_57], %broadcast_in_dim3A {strides = array<i32>} : memref<2x128xf32, #tpu.memory_space<vmem>>, vector<1x128xf32>,
      %swap3A_59 = arith.constant 1 : index
      %swap3A_60 = arith.constant 0 : index
      %swap3A_61 = vector.load %arg8[%swap3A_59, %swap3A_60] : memref<2x128xf32, #tpu.memory_space<vmem>>, vector<1x128xf32>
      tpu.vector_store %arg8[%swap3A_59, %swap3A_60], %broadcast_in_dim3A_49 {strides = array<i32>} : memref<2x128xf32, #tpu.memory_space<vmem>>, vector<1x128xf32>,
    } else {
    }
    %ne3A = arith.constant 0 : i32
    %ne3A_52 = arith.cmpi ne, %arg0, %ne3A : i32
    %convert_element_type3A_53 = arith.extui %ne3A_52 : i1 to i32
    %cond3A_54 = arith.constant 0 : i32
    %cond3A_55 = arith.cmpi ne, %convert_element_type3A_53, %cond3A_54 : i32
    scf.if %cond3A_55 {
      %get3A_56 = arith.constant 0 : index
      %get3A_57 = arith.constant 0 : index
      %get3A_58 = vector.load %arg8[%get3A_56, %get3A_57] : memref<2x128xf32, #tpu.memory_space<vmem>>, vector<1x128xf32>
      %add3A_59 = arith.addf %get3A_58, %broadcast_in_dim3A : vector<1x128xf32>
      %swap3A_60 = arith.constant 0 : index
      %swap3A_61 = arith.constant 0 : index
      %swap3A_62 = vector.load %arg8[%swap3A_60, %swap3A_61] : memref<2x128xf32, #tpu.memory_space<vmem>>, vector<1x128xf32>
      tpu.vector_store %arg8[%swap3A_60, %swap3A_61], %add3A_59 {strides = array<i32>} : memref<2x128xf32, #tpu.memory_space<vmem>>, vector<1x128xf32>,
      %get3A_63 = arith.constant 1 : index
      %get3A_64 = arith.constant 0 : index
      %get3A_65 = vector.load %arg8[%get3A_63, %get3A_64] : memref<2x128xf32, #tpu.memory_space<vmem>>, vector<1x128xf32>
      %add3A_66 = arith.addf %get3A_65, %broadcast_in_dim3A_49 : vector<1x128xf32>
      %swap3A_67 = arith.constant 1 : index
      %swap3A_68 = arith.constant 0 : index
      %swap3A_69 = vector.load %arg8[%swap3A_67, %swap3A_68] : memref<2x128xf32, #tpu.memory_space<vmem>>, vector<1x128xf32>
      tpu.vector_store %arg8[%swap3A_67, %swap3A_68], %add3A_66 {strides = array<i32>} : memref<2x128xf32, #tpu.memory_space<vmem>>, vector<1x128xf32>,
    } else {
    }
    return
  }
  func.func @transform_0(%arg0: i32) -> (i32, i32, i32) {
    %c0_i32 = arith.constant 0 : i32
    %c0_i32_0 = arith.constant 0 : i32
    %c0_i32_1 = arith.constant 0 : i32
    return %c0_i32, %arg0, %c0_i32_0 : i32, i32, i32
  }
  func.func @transform_1(%arg0: i32) -> (i32, i32, i32) {
    %c0_i32 = arith.constant 0 : i32
    %c0_i32_0 = arith.constant 0 : i32
    %c0_i32_1 = arith.constant 0 : i32
    return %c0_i32, %arg0, %c0_i32_0 : i32, i32, i32
  }
  func.func @transform_2(%arg0: i32) -> (i32, i32) {
    %c0_i32 = arith.constant 0 : i32
    %c0_i32_0 = arith.constant 0 : i32
    return %arg0, %c0_i32 : i32, i32
  }
  func.func @transform_3(%arg0: i32) -> (i32, i32) {
    %c0_i32 = arith.constant 0 : i32
    %c0_i32_0 = arith.constant 0 : i32
    %c0_i32_1 = arith.constant 0 : i32
    return %c0_i32, %c0_i32_0 : i32, i32
  }
  func.func @transform_4(%arg0: i32) -> (i32, i32) {
    %c0_i32 = arith.constant 0 : i32
    %c0_i32_0 = arith.constant 0 : i32
    %c0_i32_1 = arith.constant 0 : i32
    return %c0_i32, %c0_i32_0 : i32, i32
  }
  func.func @transform_5(%arg0: i32) -> (i32, i32) {
    %c0_i32 = arith.constant 0 : i32
    %c0_i32_0 = arith.constant 0 : i32
    %c0_i32_1 = arith.constant 0 : i32
    return %c0_i32, %c0_i32_0 : i32, i32
  }
  func.func @transform_6(%arg0: i32) -> (i32, i32) {
    %c0_i32 = arith.constant 0 : i32
    %c0_i32_0 = arith.constant 0 : i32
    return %arg0, %c0_i32 : i32, i32
  }
  func.func @transform_7(%arg0: i32) -> (i32, i32) {
    %c0_i32 = arith.constant 0 : i32
    %c0_i32_0 = arith.constant 0 : i32
    %c0_i32_1 = arith.constant 0 : i32
    return %c0_i32, %c0_i32_0 : i32, i32
  }
}

module attributes {stable_mosaic.version = 14 : i64} {
  func.func @_bn_relu_body(%arg0: i32, %arg1: memref<400x128xf32, #tpu.memory_space<vmem>>, %arg2: memref<2x128xf32, #tpu.memory_space<vmem>>, %arg3: memref<1x128xf32, #tpu.memory_space<vmem>>, %arg4: memref<1x128xf32, #tpu.memory_space<vmem>>, %arg5: memref<400x128xf32, #tpu.memory_space<vmem>>) attributes {dimension_semantics = [#tpu.dimension_semantics<arbitrary>], iteration_bounds = array<i64: 25>, scalar_prefetch = 0 : i64, scratch_operands = 0 : i64, tpu.core_type = #tpu.core_type<tc>, window_params = [{transform_indices = @transform_0, window_bounds = array<i64: 400, 128>}, {pipeline_mode = #tpu.pipeline_mode<synchronous>, transform_indices = @transform_1, window_bounds = array<i64: 2, 128>}, {pipeline_mode = #tpu.pipeline_mode<synchronous>, transform_indices = @transform_2, window_bounds = array<i64: 1, 128>}, {pipeline_mode = #tpu.pipeline_mode<synchronous>, transform_indices = @transform_3, window_bounds = array<i64: 1, 128>}, {transform_indices = @transform_4, window_bounds = array<i64: 400, 128>}]} {
    %get3A = arith.constant 0 : index
    %get3A_0 = arith.constant 0 : index
    %get3A_1 = vector.load %arg2[%get3A, %get3A_0] : memref<2x128xf32, #tpu.memory_space<vmem>>, vector<1x128xf32>
    %mul3A = arith.constant 9.99999974E-5 : f32
    %mul3A_2 = vector.broadcast %mul3A : f32 to vector<1x128xf32>
    %mul3A_3 = arith.mulf %get3A_1, %mul3A_2 : vector<1x128xf32>
    %get3A_4 = arith.constant 1 : index
    %get3A_5 = arith.constant 0 : index
    %get3A_6 = vector.load %arg2[%get3A_4, %get3A_5] : memref<2x128xf32, #tpu.memory_space<vmem>>, vector<1x128xf32>
    %mul3A_7 = arith.constant 9.99999974E-5 : f32
    %mul3A_8 = vector.broadcast %mul3A_7 : f32 to vector<1x128xf32>
    %mul3A_9 = arith.mulf %get3A_6, %mul3A_8 : vector<1x128xf32>
    %mul3A_10 = arith.mulf %mul3A_3, %mul3A_3 : vector<1x128xf32>
    %sub3A = arith.subf %mul3A_9, %mul3A_10 : vector<1x128xf32>
    %add3A = arith.constant 9.99999974E-6 : f32
    %add3A_11 = vector.broadcast %add3A : f32 to vector<1x128xf32>
    %add3A_12 = arith.addf %sub3A, %add3A_11 : vector<1x128xf32>
    %rsqrt3A = math.rsqrt %add3A_12 : vector<1x128xf32>
    %get3A_13 = arith.constant 0 : index
    %get3A_14 = arith.constant 0 : index
    %get3A_15 = vector.load %arg1[%get3A_13, %get3A_14] : memref<400x128xf32, #tpu.memory_space<vmem>>, vector<400x128xf32>
    %sub3A_16 = vector.broadcast %mul3A_3 : vector<1x128xf32> to vector<400x128xf32>
    %sub3A_17 = arith.subf %get3A_15, %sub3A_16 : vector<400x128xf32>
    %mul3A_18 = vector.broadcast %rsqrt3A : vector<1x128xf32> to vector<400x128xf32>
    %mul3A_19 = arith.mulf %sub3A_17, %mul3A_18 : vector<400x128xf32>
    %get3A_20 = arith.constant 0 : index
    %get3A_21 = arith.constant 0 : index
    %get3A_22 = vector.load %arg3[%get3A_20, %get3A_21] : memref<1x128xf32, #tpu.memory_space<vmem>>, vector<1x128xf32>
    %mul3A_23 = vector.broadcast %get3A_22 : vector<1x128xf32> to vector<400x128xf32>
    %mul3A_24 = arith.mulf %mul3A_19, %mul3A_23 : vector<400x128xf32>
    %get3A_25 = arith.constant 0 : index
    %get3A_26 = arith.constant 0 : index
    %get3A_27 = vector.load %arg4[%get3A_25, %get3A_26] : memref<1x128xf32, #tpu.memory_space<vmem>>, vector<1x128xf32>
    %add3A_28 = vector.broadcast %get3A_27 : vector<1x128xf32> to vector<400x128xf32>
    %add3A_29 = arith.addf %mul3A_24, %add3A_28 : vector<400x128xf32>
    %max3A = arith.constant 0.000000e+00 : f32
    %max3A_30 = vector.broadcast %max3A : f32 to vector<400x128xf32>
    %max3A_31 = arith.maximumf %add3A_29, %max3A_30 : vector<400x128xf32>
    %swap3A = arith.constant 0 : index
    %swap3A_32 = arith.constant 0 : index
    %swap3A_33 = vector.load %arg5[%swap3A, %swap3A_32] : memref<400x128xf32, #tpu.memory_space<vmem>>, vector<400x128xf32>
    tpu.vector_store %arg5[%swap3A, %swap3A_32], %max3A_31 {strides = array<i32>} : memref<400x128xf32, #tpu.memory_space<vmem>>, vector<400x128xf32>,
    return
  }
  func.func @transform_0(%arg0: i32) -> (i32, i32) {
    %c0_i32 = arith.constant 0 : i32
    %c0_i32_0 = arith.constant 0 : i32
    return %arg0, %c0_i32 : i32, i32
  }
  func.func @transform_1(%arg0: i32) -> (i32, i32) {
    %c0_i32 = arith.constant 0 : i32
    %c0_i32_0 = arith.constant 0 : i32
    %c0_i32_1 = arith.constant 0 : i32
    return %c0_i32, %c0_i32_0 : i32, i32
  }
  func.func @transform_2(%arg0: i32) -> (i32, i32) {
    %c0_i32 = arith.constant 0 : i32
    %c0_i32_0 = arith.constant 0 : i32
    %c0_i32_1 = arith.constant 0 : i32
    return %c0_i32, %c0_i32_0 : i32, i32
  }
  func.func @transform_3(%arg0: i32) -> (i32, i32) {
    %c0_i32 = arith.constant 0 : i32
    %c0_i32_0 = arith.constant 0 : i32
    %c0_i32_1 = arith.constant 0 : i32
    return %c0_i32, %c0_i32_0 : i32, i32
  }
  func.func @transform_4(%arg0: i32) -> (i32, i32) {
    %c0_i32 = arith.constant 0 : i32
    %c0_i32_0 = arith.constant 0 : i32
    return %arg0, %c0_i32 : i32, i32
  }
}

module attributes {stable_mosaic.version = 14 : i64} {
  func.func @_final_body(%arg0: i32, %arg1: memref<400x128xf32, #tpu.memory_space<vmem>>, %arg2: memref<2x128xf32, #tpu.memory_space<vmem>>, %arg3: memref<1x128xf32, #tpu.memory_space<vmem>>, %arg4: memref<1x128xf32, #tpu.memory_space<vmem>>, %arg5: memref<128x40xf32, #tpu.memory_space<vmem>>, %arg6: memref<1x40xf32, #tpu.memory_space<vmem>>, %arg7: memref<400x40xf32, #tpu.memory_space<vmem>>, %arg8: memref<400x40xf32, #tpu.memory_space<vmem>>) attributes {dimension_semantics = [#tpu.dimension_semantics<arbitrary>], iteration_bounds = array<i64: 25>, scalar_prefetch = 0 : i64, scratch_operands = 0 : i64, tpu.core_type = #tpu.core_type<tc>, window_params = [{transform_indices = @transform_0, window_bounds = array<i64: 400, 128>}, {pipeline_mode = #tpu.pipeline_mode<synchronous>, transform_indices = @transform_1, window_bounds = array<i64: 2, 128>}, {pipeline_mode = #tpu.pipeline_mode<synchronous>, transform_indices = @transform_2, window_bounds = array<i64: 1, 128>}, {pipeline_mode = #tpu.pipeline_mode<synchronous>, transform_indices = @transform_3, window_bounds = array<i64: 1, 128>}, {pipeline_mode = #tpu.pipeline_mode<synchronous>, transform_indices = @transform_4, window_bounds = array<i64: 128, 40>}, {pipeline_mode = #tpu.pipeline_mode<synchronous>, transform_indices = @transform_5, window_bounds = array<i64: 1, 40>}, {transform_indices = @transform_6, window_bounds = array<i64: 400, 40>}, {transform_indices = @transform_7, window_bounds = array<i64: 400, 40>}]} {
    %get3A = arith.constant 0 : index
    %get3A_0 = arith.constant 0 : index
    %get3A_1 = vector.load %arg2[%get3A, %get3A_0] : memref<2x128xf32, #tpu.memory_space<vmem>>, vector<1x128xf32>
    %mul3A = arith.constant 9.99999974E-5 : f32
    %mul3A_2 = vector.broadcast %mul3A : f32 to vector<1x128xf32>
    %mul3A_3 = arith.mulf %get3A_1, %mul3A_2 : vector<1x128xf32>
    %get3A_4 = arith.constant 1 : index
    %get3A_5 = arith.constant 0 : index
    %get3A_6 = vector.load %arg2[%get3A_4, %get3A_5] : memref<2x128xf32, #tpu.memory_space<vmem>>, vector<1x128xf32>
    %mul3A_7 = arith.constant 9.99999974E-5 : f32
    %mul3A_8 = vector.broadcast %mul3A_7 : f32 to vector<1x128xf32>
    %mul3A_9 = arith.mulf %get3A_6, %mul3A_8 : vector<1x128xf32>
    %mul3A_10 = arith.mulf %mul3A_3, %mul3A_3 : vector<1x128xf32>
    %sub3A = arith.subf %mul3A_9, %mul3A_10 : vector<1x128xf32>
    %add3A = arith.constant 9.99999974E-6 : f32
    %add3A_11 = vector.broadcast %add3A : f32 to vector<1x128xf32>
    %add3A_12 = arith.addf %sub3A, %add3A_11 : vector<1x128xf32>
    %rsqrt3A = math.rsqrt %add3A_12 : vector<1x128xf32>
    %get3A_13 = arith.constant 0 : index
    %get3A_14 = arith.constant 0 : index
    %get3A_15 = vector.load %arg1[%get3A_13, %get3A_14] : memref<400x128xf32, #tpu.memory_space<vmem>>, vector<400x128xf32>
    %sub3A_16 = vector.broadcast %mul3A_3 : vector<1x128xf32> to vector<400x128xf32>
    %sub3A_17 = arith.subf %get3A_15, %sub3A_16 : vector<400x128xf32>
    %mul3A_18 = vector.broadcast %rsqrt3A : vector<1x128xf32> to vector<400x128xf32>
    %mul3A_19 = arith.mulf %sub3A_17, %mul3A_18 : vector<400x128xf32>
    %get3A_20 = arith.constant 0 : index
    %get3A_21 = arith.constant 0 : index
    %get3A_22 = vector.load %arg3[%get3A_20, %get3A_21] : memref<1x128xf32, #tpu.memory_space<vmem>>, vector<1x128xf32>
    %mul3A_23 = vector.broadcast %get3A_22 : vector<1x128xf32> to vector<400x128xf32>
    %mul3A_24 = arith.mulf %mul3A_19, %mul3A_23 : vector<400x128xf32>
    %get3A_25 = arith.constant 0 : index
    %get3A_26 = arith.constant 0 : index
    %get3A_27 = vector.load %arg4[%get3A_25, %get3A_26] : memref<1x128xf32, #tpu.memory_space<vmem>>, vector<1x128xf32>
    %add3A_28 = vector.broadcast %get3A_27 : vector<1x128xf32> to vector<400x128xf32>
    %add3A_29 = arith.addf %mul3A_24, %add3A_28 : vector<400x128xf32>
    %max3A = arith.constant 0.000000e+00 : f32
    %max3A_30 = vector.broadcast %max3A : f32 to vector<400x128xf32>
    %max3A_31 = arith.maximumf %add3A_29, %max3A_30 : vector<400x128xf32>
    %get3A_32 = arith.constant 0 : index
    %get3A_33 = arith.constant 0 : index
    %get3A_34 = vector.load %arg5[%get3A_32, %get3A_33] : memref<128x40xf32, #tpu.memory_space<vmem>>, vector<128x40xf32>
    %dot_general3A = arith.constant dense<0.000000e+00> : vector<400x40xf32>
    %dot_general3A_35 = tpu.matmul %max3A_31, %get3A_34, %dot_general3A {dimension_numbers = #tpu.dot_dimension_numbers<[1], [0], [0], [1], [0, 0, 1, 1], [], []>, transpose_lhs_hint = false} : vector<400x128xf32>, vector<128x40xf32>, vector<400x40xf32> -> vector<400x40xf32>
    %get3A_36 = arith.constant 0 : index
    %get3A_37 = arith.constant 0 : index
    %get3A_38 = vector.load %arg6[%get3A_36, %get3A_37] : memref<1x40xf32, #tpu.memory_space<vmem>>, vector<1x40xf32>
    %add3A_39 = vector.broadcast %get3A_38 : vector<1x40xf32> to vector<400x40xf32>
    %add3A_40 = arith.addf %dot_general3A_35, %add3A_39 : vector<400x40xf32>
    %max3A_41 = arith.constant 0.000000e+00 : f32
    %max3A_42 = vector.broadcast %max3A_41 : f32 to vector<400x40xf32>
    %max3A_43 = arith.maximumf %add3A_40, %max3A_42 : vector<400x40xf32>
    %reduce_max3A = arith.constant dense<0xFF800000> : vector<400xf32>
    %reduce_max3A_44 = vector.multi_reduction <maximumf>, %max3A_43, %reduce_max3A [1] : vector<400x40xf32> to vector<400xf32>
    %broadcast_in_dim3A = vector.shape_cast %reduce_max3A_44 : vector<400xf32> to vector<400x1xf32>
    %sub3A_45 = vector.broadcast %broadcast_in_dim3A : vector<400x1xf32> to vector<400x40xf32>
    %sub3A_46 = arith.subf %max3A_43, %sub3A_45 : vector<400x40xf32>
    %exp3A = math.exp %sub3A_46 : vector<400x40xf32>
    %reduce_sum3A = arith.constant dense<0.000000e+00> : vector<400xf32>
    %reduce_sum3A_47 = vector.multi_reduction <add>, %exp3A, %reduce_sum3A [1] : vector<400x40xf32> to vector<400xf32>
    %broadcast_in_dim3A_48 = vector.shape_cast %reduce_sum3A_47 : vector<400xf32> to vector<400x1xf32>
    %log3A = math.log %broadcast_in_dim3A_48 : vector<400x1xf32>
    %add3A_49 = arith.addf %log3A, %broadcast_in_dim3A : vector<400x1xf32>
    %swap3A = arith.constant 0 : index
    %swap3A_50 = arith.constant 0 : index
    %swap3A_51 = vector.load %arg7[%swap3A, %swap3A_50] : memref<400x40xf32, #tpu.memory_space<vmem>>, vector<400x40xf32>
    tpu.vector_store %arg7[%swap3A, %swap3A_50], %max3A_43 {strides = array<i32>} : memref<400x40xf32, #tpu.memory_space<vmem>>, vector<400x40xf32>,
    %sub3A_52 = vector.broadcast %add3A_49 : vector<400x1xf32> to vector<400x40xf32>
    %sub3A_53 = arith.subf %max3A_43, %sub3A_52 : vector<400x40xf32>
    %swap3A_54 = arith.constant 0 : index
    %swap3A_55 = arith.constant 0 : index
    %swap3A_56 = vector.load %arg8[%swap3A_54, %swap3A_55] : memref<400x40xf32, #tpu.memory_space<vmem>>, vector<400x40xf32>
    tpu.vector_store %arg8[%swap3A_54, %swap3A_55], %sub3A_53 {strides = array<i32>} : memref<400x40xf32, #tpu.memory_space<vmem>>, vector<400x40xf32>,
    return
  }
  func.func @transform_0(%arg0: i32) -> (i32, i32) {
    %c0_i32 = arith.constant 0 : i32
    %c0_i32_0 = arith.constant 0 : i32
    return %arg0, %c0_i32 : i32, i32
  }
  func.func @transform_1(%arg0: i32) -> (i32, i32) {
    %c0_i32 = arith.constant 0 : i32
    %c0_i32_0 = arith.constant 0 : i32
    %c0_i32_1 = arith.constant 0 : i32
    return %c0_i32, %c0_i32_0 : i32, i32
  }
  func.func @transform_2(%arg0: i32) -> (i32, i32) {
    %c0_i32 = arith.constant 0 : i32
    %c0_i32_0 = arith.constant 0 : i32
    %c0_i32_1 = arith.constant 0 : i32
    return %c0_i32, %c0_i32_0 : i32, i32
  }
  func.func @transform_3(%arg0: i32) -> (i32, i32) {
    %c0_i32 = arith.constant 0 : i32
    %c0_i32_0 = arith.constant 0 : i32
    %c0_i32_1 = arith.constant 0 : i32
    return %c0_i32, %c0_i32_0 : i32, i32
  }
  func.func @transform_4(%arg0: i32) -> (i32, i32) {
    %c0_i32 = arith.constant 0 : i32
    %c0_i32_0 = arith.constant 0 : i32
    %c0_i32_1 = arith.constant 0 : i32
    return %c0_i32, %c0_i32_0 : i32, i32
  }
  func.func @transform_5(%arg0: i32) -> (i32, i32) {
    %c0_i32 = arith.constant 0 : i32
    %c0_i32_0 = arith.constant 0 : i32
    %c0_i32_1 = arith.constant 0 : i32
    return %c0_i32, %c0_i32_0 : i32, i32
  }
  func.func @transform_6(%arg0: i32) -> (i32, i32) {
    %c0_i32 = arith.constant 0 : i32
    %c0_i32_0 = arith.constant 0 : i32
    return %arg0, %c0_i32 : i32, i32
  }
  func.func @transform_7(%arg0: i32) -> (i32, i32) {
    %c0_i32 = arith.constant 0 : i32
    %c0_i32_0 = arith.constant 0 : i32
    return %arg0, %c0_i32 : i32, i32
  }
}

</mosaic_0001>

<sc_bundles>
// kernel: kernel.11.cloned.1.call-start
scs
__scs_entry_jumppad:
0x0: {  	(pc) =	sbr.rel $0x88, $3  }
0x1: {  	(tag) =	ssettag $0x0;
	lr =	simm.s32 $0x1  }
0x2: {  	[smem:$0x3F93] =	sst lr;
	_ =	strace $0xD0000000  }
0x3: {  	_ = 	snop  }
0x4: {  	_ = 	snop  }
0x5: {  	_ = 	snop  }
0x6: {  	_ = 	snop  }
0x7: {  	_ = 	snop  }
__scs_overlays_trampoline_lowered:
0x8: {  	[smem:$0x3FA2] =	sst s0  }
0x9: {  	[smem:$0x3FA3] =	sst s1  }
0xa: {  	[smem:$0x3FA4] =	sst s2  }
0xb: {  	[smem:$0x3FA5] =	sst s3  }
0xc: {  	[smem:$0x3FA6] =	sst s4  }
0xd: {  	[smem:$0x3FA7] =	sst s5  }
0xe: {  	[smem:$0x3FA8] =	sst s6  }
0xf: {  	[smem:$0x3FA9] =	sst s7  }
0x10: {  	[smem:$0x3FAA] =	sst s8  }
0x11: {  	[smem:$0x3FAB] =	sst s9;
	s0 =	simm.s32 @!p0 $0x0  }
0x12: {  	s1 =	sld [smem:$0x3F91];
	s0 =	simm.s32 @p0 $0x1  }
0x13: {  	[smem:$0x3FAC] =	sst s0;
	s0 =	simm.s32 @!p1 $0x0  }
0x14: {  	s2 =	sld [smem:$0x3F90];
	s0 =	simm.s32 @p1 $0x1  }
0x15: {  	[smem:$0x3FAD] =	sst s0;
	s0 =	simm.s32 @!p2 $0x0  }
0x16: {  	s3 =	sld [smem:$0x3FDB];
	s0 =	simm.s32 @p2 $0x1  }
0x17: {  	s4 =	simm.s32 $0x1BF5;
	[smem:$0x3FAF] =	sst s0  }
0x18: {  	s0 =	sld [smem:$0x3F92];
	_ =	swait.ge [sflag:s4], $0x0  }
0x19: {  	s7 =	sld [smem:$0x3F93]  }
0x1a: {  	s8 =	sadd.s32 $0xFFFFE003, lr  }
0x1b: {  	s9 =	sadd.s32 $0xFFFFFEF7, lr;
	s5 =	simm.s32 $0xFFFFFFFF;
	p2 =	slt.u32 s8, $0xFFFFF086  }
0x1c: {  	p1 =	slt.u32 s9, $0xF7A;
	s5 =	simm.s32 @!p2 $0x0  }
0x1d: {  	s5 =	simm.s32 @p1 $0x1;
	p0 =	seq.s32 s7, s2  }
0x1e: {  	s7 =	smul.u32 @!p0 $0xF7A, s2;
	p2 =	seq.s32 @!p0 s5, $0x0  }
0x1f: {  	s9 =	smul.u32 $0xF7A, s1;
	s8 =	simm.s32 @!p0 $0x1BF5;
	p2 =	por !p2, p0  }
0x20: {  	[sflag:s8] =	ssyncset.s32 @!p0 $0xFFFFF086;
	s6 =	sadd.s32 @!p0 s3, s7;
	s7 =	simm.s32 @!p0 $0x108  }
0x21: {  	s3 =	sadd.s32 s3, s9;
	s6 =	sadd.s32 @!p0 $0x88, s6;
	s7 =	simm.s32 @p2 $0x1082  }
0x22: {  	[simem:s7], [sflag:s8] =	dma.local @!p0 [hbm:s6], $0xF7A  }
0x23: {  	s9 =	sor.u32 $0xD0000000, s2;
	s6 =	simm.s32 $0x108;
	_ =	swait.ge @!p0 [sflag:s8], $0x0  }
0x24: {  	s3 =	sadd.s32 $0x88, s3;
	s6 =	simm.s32 @!p1 $0x1082;
	[sflag:s4] =	ssyncset.s32 $0xFFFFF086  }
0x25: {  	[simem:s6], [sflag:s4] =	dma.local [hbm:s3], $0xF7A  }
0x26: {  	[smem:$0x3F93] =	sst s1;
	(tag) =	ssettag s2;
	_ =	strace s9  }
0x27: {  	s1 =	sld [smem:$0x3FA3]  }
0x28: {  	s2 =	sld [smem:$0x3FA4]  }
0x29: {  	s4 =	sld [smem:$0x3FA6]  }
0x2a: {  	p0 =	seq.s32 s5, $0x0;
	s5 =	sld [smem:$0x3FA7]  }
0x2b: {  	s6 =	sld [smem:$0x3FA8]  }
0x2c: {  	s7 =	sld [smem:$0x3FA9]  }
0x2d: {  	s3 =	simm.s32 $0x108;
	s8 =	sld [smem:$0x3FAA]  }
0x2e: {  	s3 =	simm.s32 @!p0 $0x1082;
	s9 =	sld [smem:$0x3FAB]  }
0x2f: {  	lr =	sadd.s32 s0, s3;
	s0 =	sld [smem:$0x3FA2]  }
0x30: {  	s3 =	sld [smem:$0x3FA5]  }
0x31: {  	[smem:$0x3FAE] =	sst s10  }
0x32: {  	s10 =	sld [smem:$0x3FAC];
	_ =	sdelay $0x3  }
0x33: {  	p0 =	seq.s32 s10, $0x1;
	s10 =	sld [smem:$0x3FAE];
	_ =	sdelay $0x3  }
0x34: {  	[smem:$0x3FAE] =	sst s10  }
0x35: {  	s10 =	sld [smem:$0x3FAD];
	_ =	sdelay $0x3  }
0x36: {  	p1 =	seq.s32 s10, $0x1;
	s10 =	sld [smem:$0x3FAE];
	_ =	sdelay $0x3  }
0x37: {  	[smem:$0x3FAE] =	sst s10  }
0x38: {  	s10 =	sld [smem:$0x3FAF]  }
0x39: {  	_ = 	snop;
	(pc) =	sbr.ind lr, $3  }
0x3a: {  	_ = 	snop  }
0x3b: {  	_ = 	snop  }
0x3c: {  	p2 =	seq.s32 s10, $0x1;
	s10 =	sld [smem:$0x3FAE]  }
0x3d: {  	_ =	shalt  }
0x3e: {  	_ =	shalt  }
0x3f: {  	_ =	shalt  }
0x40: {  	_ =	shalt  }
0x41: {  	_ =	shalt  }
0x42: {  	_ =	shalt  }
0x43: {  	_ =	shalt  }
0x44: {  	_ =	shalt  }
0x45: {  	_ =	shalt  }
0x46: {  	_ =	shalt  }
0x47: {  	_ =	shalt  }
0x48: {  	_ =	shalt  }
0x49: {  	_ =	shalt  }
0x4a: {  	_ =	shalt  }
0x4b: {  	_ =	shalt  }
0x4c: {  	_ =	shalt  }
0x4d: {  	_ =	shalt  }
0x4e: {  	_ =	shalt  }
0x4f: {  	_ =	shalt  }
0x50: {  	_ =	shalt  }
0x51: {  	_ =	shalt  }
0x52: {  	_ =	shalt  }
0x53: {  	_ =	shalt  }
0x54: {  	_ =	shalt  }
0x55: {  	_ =	shalt  }
0x56: {  	_ =	shalt  }
0x57: {  	_ =	shalt  }
0x58: {  	_ =	shalt  }
0x59: {  	_ =	shalt  }
0x5a: {  	_ =	shalt  }
0x5b: {  	_ =	shalt  }
0x5c: {  	_ =	shalt  }
0x5d: {  	_ =	shalt  }
0x5e: {  	_ =	shalt  }
0x5f: {  	_ =	shalt  }
0x60: {  	_ =	shalt  }
0x61: {  	_ =	shalt  }
0x62: {  	_ =	shalt  }
0x63: {  	_ =	shalt  }
0x64: {  	_ =	shalt  }
0x65: {  	_ =	shalt  }
0x66: {  	_ =	shalt  }
0x67: {  	_ =	shalt  }
0x68: {  	_ =	shalt  }
0x69: {  	_ =	shalt  }
0x6a: {  	_ =	shalt  }
0x6b: {  	_ =	shalt  }
0x6c: {  	_ =	shalt  }
0x6d: {  	_ =	shalt  }
0x6e: {  	_ =	shalt  }
0x6f: {  	_ =	shalt  }
0x70: {  	_ =	shalt  }
0x71: {  	_ =	shalt  }
0x72: {  	_ =	shalt  }
0x73: {  	_ =	shalt  }
0x74: {  	_ =	shalt  }
0x75: {  	_ =	shalt  }
0x76: {  	_ =	shalt  }
0x77: {  	_ =	shalt  }
0x78: {  	_ =	shalt  }
0x79: {  	_ =	shalt  }
0x7a: {  	_ =	shalt  }
0x7b: {  	_ =	shalt  }
0x7c: {  	_ =	shalt  }
0x7d: {  	_ =	shalt  }
0x7e: {  	_ =	shalt  }
0x7f: {  	_ =	shalt  }
0x80: {  	_ =	shalt  }
0x81: {  	_ =	shalt  }
0x82: {  	_ =	shalt  }
0x83: {  	_ =	shalt  }
0x84: {  	_ =	shalt  }
0x85: {  	_ =	shalt  }
0x86: {  	_ =	shalt  }
0x87: {  	_ =	shalt  }
.Lfunc_end0:
.L_simem_size_0:
called_computation.1_lowered:
.L_overlay_start_0:
0x88: {  	s2 =	sld [smem:$0x3FD9]  }
0x89: {  	s3 =	sld [smem:$0x3FFE];
	_ =	sdelay $0x1  }
0x8a: {  	s1 =	srdreg.scid  }
0x8b: {  	s0 =	sand.u32 $0x1, s1  }
0x8c: {  	s14 =	sshll.u32 s0, $0xA;
	s2 =	sadd.s32 s3, s2  }
0x8d: {  	s2 =	sadd.s32 s2, s14  }
0x8e: {  	[smem:$0x3FBA] =	sst s2  }
0x8f: {  	_ = 	snop  }
0x90: {  	s2 =	sld [smem:$0x3FD0];
	_ =	sdelay $0x2  }
0x91: {  	s15 =	simm.s32 $0xA;
	s4 =	simm.s32 $0x10  }
0x92: {  	[smem:s4], [sflag:s15] =	dma.local [hbm:s2], $0x1  }
0x93: {  	_ =	swait.eq [sflag:s15], $0x1  }
0x94: {  	[sflag:s15] =	ssyncset.done $0x0  }
0x95: {  	s16 =	sld [smem:$0x10];
	[sflag:s15] =	ssyncadd.s32 $0xFFFFFFFF  }
0x96: {  	s17 =	sld [smem:$0x11];
	(tm) =	ssettm $0x1  }
0x97: {  	s18 =	sld [smem:$0x3FFB];
	_ =	sdelay $0x3  }
0x98: {  	_ =	strace s18  }
0x99: {  	s4 =	sld [smem:$0x3FFC];
	_ =	sdelay $0x3  }
0x9a: {  	_ =	strace s4  }
0x9b: {  	s4 =	sld [smem:$0x3FFD];
	_ =	sdelay $0x3  }
0x9c: {  	_ =	strace s4  }
0x9d: {  	_ =	strace $0x8FFFFFFF  }
0x9e: {  	s19 =	sld [smem:$0x3FDB];
	_ =	sdelay $0x1  }
0x9f: {  	s5 =	simm.s32 $_scs_section_size  }
0xa0: {  	s6 =	simm.s32 $_size__tile_overlayer_lowered;
	s7 =	simm.s32 $_tile_overlayer_lowered  }
0xa1: {  	s22 =	simm.s32 $0x1BFF;
	s21 =	sshll.u32 s7, $0x1;
	s4 =	sadd.s32 s5, s19  }
0xa2: {  	s8 =	simm.s32 $0x0;
	s20 =	sshll.u32 s6, $0x1;
	s6 =	sadd.s32 s21, s4  }
0xa3: {  	[timem:s8], [sflag:s22] =	dma.local [hbm:s6], s20  }
0xa4: {  	_ =	swait.ge [sflag:s22], s20  }
0xa5: {  	s5 =	ssub.s32 $0x0, s20;
	[sflag:s22] =	ssyncset.done $0x0  }
0xa6: {  	[sflag:s22] =	ssyncadd.s32 s5;
	_ =	sdelay $0x1  }
0xa7: {  	s23 =	simm.s32 $0x1B8B  }
0xa8: {  	_ =	swait.ge [sflag:s23], $0x1  }
0xa9: {  	[sflag:s23] =	ssyncset.done $0x0  }
0xaa: {  	s25 =	simm.s32 $0x1B8E;
	s24 =	sld [smem:$0x3FFE];
	[sflag:s23] =	ssyncadd.s32 $0xFFFFFFFF  }
0xab: {  	s26 =	simm.s32 $execute0_lowered;
	[smem:$0x3FD2] =	sst s25  }
0xac: {  	s6 =	sshll.u32 s26, $0x1;
	_ =	strace $0x80000049;
	[dreg:$0x1] =	wrdreg $0xFFFFFFFF  }
0xad: {  	s28 =	simm.s32 $_size_execute0_lowered;
	s4 =	sadd.s32 s4, s6;
	[dreg:$0x0] =	wrdreg $0x0  }
0xae: {  	s6 =	sshll.u32 s28, $0x1;
	[dreg:$0x2] =	wrdreg s4  }
0xaf: {  	[dreg:$0x3] =	wrdreg s6  }
0xb0: {  	[dreg:$0x4] =	wrdreg $0xC0  }
0xb1: {  	_ =	task [dreg:s8], $0x5FFFF  }
0xb2: {  	[dreg:$0x1] =	wrdreg $0xFFFFFFFF  }
0xb3: {  	[dreg:$0x0] =	wrdreg $0x60  }
0xb4: {  	[dreg:$0x2] =	wrdreg s24  }
0xb5: {  	[dreg:$0x3] =	wrdreg s16  }
0xb6: {  	[dreg:$0x4] =	wrdreg s17  }
0xb7: {  	[dreg:$0x5] =	wrdreg $0x9F000  }
0xb8: {  	[dreg:$0x6] =	wrdreg $0x9  }
0xb9: {  	_ =	task.clear_ibuf [dreg:s8], $0x7FFFF;
	_ =	strace $0x90000049  }
0xba: {  	s29 =	simm.s32 $0x9;
	_ =	strace $0x8000004B  }
0xbb: {  	_ =	swait.ge [sflag:s29], $0x1  }
0xbc: {  	[sflag:s29] =	ssyncadd.s32 $0xFFFFFFFF  }
0xbd: {  	_ =	strace $0x9000004B  }
0xbe: {  	_ =	sfence  }
0xbf: {  	s30 =	sld [smem:$0x0];
	_ =	sdelay $0x2  }
0xc0: {  	s31 =	sshll.u32 s1, $0xD;
	s1 =	sshrl.u32 s1, $0x2  }
0xc1: {  	s3 =	sand.u32 $0x4000, s31;
	s1 =	sadd.s32 s1, s30  }
0xc2: {  	s0 =	sor.u32 s3, s0;
	s1 =	sshll.u32 s1, $0x11  }
0xc3: {  	s0 =	sor.u32 s1, s0  }
0xc4: {  	s0 =	sadd.s32 $0x8F2B, s0  }
0xc5: {  	[sflag:s0] =	ssyncadd.remote.s32 $0x1  }
0xc6: {  	_ =	sfence.sel $0xFFFF  }
0xc7: {  	[dreg:$0x0] =	wrdreg $0xFFFFFFFF;
	(pc) =	sbr.abs _section_cstart, $3  }
0xc8: {  	[dreg:$0x1] =	wrdreg $0xFFFFFFFF  }
0xc9: {  	_ =	task.clear_ibuf [dreg:s8], $0x2FFFF;
	_ =	strace $0x9FFFFFFF  }
0xca: {  	(tm) =	ssettm $0x7FFFFFFF  }
0xcb: {  	_ =	shalt  }
tec
execute0_lowered:
.L_overlay_start_1:
0x0: {  	(tag) =	ssettag $0x1  }
0x1: {  	s6 =	rddreg [dreg:$0x0]  }
0x2: {  	s7 =	rddreg [dreg:$0x1]  }
0x3: {  	s8 =	rddreg [dreg:$0x2]  }
0x4: {  	s1 =	rddreg [dreg:$0x3]  }
0x5: {  	s2 =	srdreg.scid;
	s0 =	rddreg [dreg:$0x4]  }
0x6: {  	s3 =	simm.s32 $0x0;
	s13 =	simm.s32 $0x2780;
	s14 =	simm.s32 $0x50  }
0x7: {  	s15 =	simm.s32 $0x4F00;
	s16 =	simm.s32 $0x7700;
	s17 =	simm.s32 $0x1  }
0x8: {  	s18 =	simm.s32 $0x2;
	s5 =	sand.u32 $0x1, s2;
	s2 =	stileid.u32  }
0x9: {  	s19 =	simm.s32 $0x4E40;
	[smem:$0x7FF] =	sst s3;
	s9 =	smul.u32 $0x138800, s5  }
0xa: {  	s10 =	smul.u32 $0x1F400, s2;
	s4 =	sshll.u32 s5, $0x4;
	_ =	strace $0x8000004A  }
0xb: {  	s29 =	ssub.s32 $0x2, s5;
	s12 =	smul.u32 $0x7D000, s2;
	s5 =	sadd.s32 $0x3200, s6  }
0xc: {  	p0 =	sgt.u32 s2, $0x9;
	s31 =	sshll.u32 s2, $0x6;
	s11 =	sor.u32 s2, s4  }
0xd: {  	s4 =	sadd.s32 $0x3600, s6;
	s30 =	sshrl.u32 s29, $0x1;
	s20 =	sshll.u32 @!p0 s2, $0x6  }
0xe: {  	s9 =	sadd.s32 s10, s9;
	s28 =	smul.u32 $0x4E2, s11;
	s11 =	ssub.s32 s29, s30  }
0xf: {  	s12 =	sshrl.u32 s12, $0x2;
	s20 =	sor.u32 @!p0 $0x1C03, s20;
	s9 =	sshrl.u32 s9, $0x3  }
0x10: {  	s10 =	smax.u32 s11, $0x1;
	s9 =	sadd.s32 s9, s6;
	s6 =	sadd.s32 s7, s28  }
0x11: {  	s7 =	sadd.s32 s8, s28;
	s8 =	sadd.s32 $0xA0000, s9;
	s9 =	sadd.s32 s12, s1  }
0x12: {  	s11 =	sor.u32 $0x1C03, s31;
	s12 =	simm.s32 $0x3;
	s21 =	sshrl.u32 @!p0 s9, $0x3  }
.LBB2_1:
.Ltmp0:
0x13: {  	(pc) =	sbr.rel @p0 .LBB2_5-.Ltmp0, $1  }
0x14: {  	_ =	sdelay $0x3  }
0x15: {  	s22 =	sadd.s32 $0x0, s9  }
0x16: {  	s22 =	sshrl.u32 s22, $0x3  }
0x17: {  	[spmem:s22], [sflag:s11] =	dma.local [hbm:s5], $0x280  }
0x18: {  	s22 =	simm.s32 $0x5000;
	_ =	swait.ge [sflag:s12], $0x280  }
.LBB2_3:
0x19: {  	s23 =	sshra.s32 s22, $0x2;
	[sflag:s12] =	ssyncset.done $0x0;
	p1 =	sne.s32 s22, $0x78000  }
.Ltmp1:
0x1a: {  	s23 =	sadd.s32 s23, s9;
	[sflag:s12] =	ssyncadd.s32 $0xFFFFFD80;
	(pc) =	sbr.rel @p1 .LBB2_3-.Ltmp1, $4  }
0x1b: {  	s22 =	sadd.s32 $0x5000, s22;
	s23 =	sshrl.u32 s23, $0x3  }
0x1c: {  	[spmem:s23], [sflag:s11] =	dma.local [hbm:s5], $0x280  }
0x1d: {  	_ = 	snop  }
0x1e: {  	_ =	swait.ge [sflag:s12], $0x280  }
0x1f: {  	[sflag:s12] =	ssyncset.done $0x0  }
0x20: {  	[sflag:s12] =	ssyncadd.s32 $0xFFFFFD80  }
.LBB2_5:
0x21: {  	s22 =	simm.s32 $0x0  }
0x22: {  	[tilespmem:s22], [sflag:$0x3] =	stream.linear.gather [hbm4b:s6+s22], $0x2710, $0x38;
	[tilespmem:$0x1D780] =	vst v63  }
0x23: {  	_ =	swait.ge [sflag:s12], $0x2710  }
0x24: {  	[sflag:s12] =	ssyncset.done $0x0  }
0x25: {  	[sflag:s12] =	ssyncadd.s32 $0xFFFFD8F0  }
0x26: {  	[tilespmem:s13], [sflag:$0x3] =	stream.linear.gather [hbm4b:s7+s22], $0x2710, $0x38;
	[tilespmem:$0x1D780] =	vst v63  }
0x27: {  	_ =	swait.ge [sflag:s12], $0x2710  }
0x28: {  	[sflag:s12] =	ssyncset.done $0x0  }
0x29: {  	[sflag:s12] =	ssyncadd.s32 $0xFFFFD8F0  }
0x2a: {  	[bflag:$0x0] =	sbarrier.arrive $0xFFFF  }
0x2b: {  	[tilespmem:s15], [sflag:$0x1] =	stream.indirect.gather [hbm4b:s4+s14], $0x80, s22, s14, $0xb8;
	[tilespmem:$0x1D780] =	vst v63  }
0x2c: {  	s28 =	simm.s32 $0x50  }
0x2d: {  	[tilespmem:s16], [sflag:$0x2] =	stream.indirect.gather [hbm4b:s4+s14], $0x80, s28, s14, $0xb8;
	[tilespmem:$0x1D780] =	vst v63  }
0x2e: {  	_ =	swait.ge [sflag:s17], $0x2800  }
0x2f: {  	[sflag:s17] =	ssyncset.done $0x0  }
0x30: {  	s29 =	simm.s32 $0x2780;
	[sflag:s17] =	ssyncadd.s32 $0xFFFFD800  }
0x31: {  	[spmem:s1] =	stream.indirect.scatter.add.f32 [tilespmem:s15], [sflag:$0x3], $0x80, s29, s14, $0xb8;
	[tilespmem:$0x1D780] =	vst v63  }
0x32: {  	_ =	swait.ge [sflag:s12], $0x2800  }
0x33: {  	[sflag:s12] =	ssyncset.done $0x0  }
0x34: {  	s30 =	simm.s32 $0xA0;
	[sflag:s12] =	ssyncadd.s32 $0xFFFFD800  }
0x35: {  	[tilespmem:s15], [sflag:$0x1] =	stream.indirect.gather [hbm4b:s4+s14], $0x80, s30, s14, $0xb8;
	[tilespmem:$0x1D780] =	vst v63  }
0x36: {  	_ =	swait.ge [sflag:s18], $0x2800  }
0x37: {  	[sflag:s18] =	ssyncset.done $0x0  }
0x38: {  	s31 =	simm.s32 $0x27D0;
	[sflag:s18] =	ssyncadd.s32 $0xFFFFD800  }
0x39: {  	[spmem:s1] =	stream.indirect.scatter.add.f32 [tilespmem:s16], [sflag:$0x3], $0x80, s31, s14, $0xb8;
	[tilespmem:$0x1D780] =	vst v63  }
0x3a: {  	_ =	swait.ge [sflag:s12], $0x2800  }
0x3b: {  	s23 =	simm.s32 $0x500;
	s22 =	simm.s32 $0xA0;
	[sflag:s12] =	ssyncset.done $0x0  }
.LBB2_6:
0x3c: {  	s24 =	sadd.s32 $0x50, s22  }
0x3d: {  	[sflag:s12] =	ssyncadd.s32 $0xFFFFD800;
	s25 =	smov.u32 s23;
	s26 =	sadd.s32 $0x280, s23  }
0x3e: {  	[tilespmem:s16], [sflag:$0x2] =	stream.indirect.gather [hbm4b:s4+s14], $0x80, s24, s14, $0xb8;
	[tilespmem:$0x1D780] =	vst v63  }
0x3f: {  	p1 =	sne.s32 s23, $0x9880;
	_ =	swait.ge [sflag:s17], $0x2800  }
0x40: {  	[sflag:s17] =	ssyncset.done $0x0  }
0x41: {  	s23 =	sadd.s32 $0x2780, s22;
	[sflag:s17] =	ssyncadd.s32 $0xFFFFD800  }
0x42: {  	[spmem:s1] =	stream.indirect.scatter.add.f32 [tilespmem:s15], [sflag:$0x3], $0x80, s23, s14, $0xb8;
	[tilespmem:$0x1D780] =	vst v63  }
0x43: {  	_ =	swait.ge [sflag:s12], $0x2800  }
0x44: {  	[sflag:s12] =	ssyncset.done $0x0  }
0x45: {  	s23 =	sadd.s32 $0xA0, s22;
	[sflag:s12] =	ssyncadd.s32 $0xFFFFD800  }
0x46: {  	[tilespmem:s15], [sflag:$0x1] =	stream.indirect.gather [hbm4b:s4+s14], $0x80, s23, s14, $0xb8;
	[tilespmem:$0x1D780] =	vst v63  }
0x47: {  	_ =	swait.ge [sflag:s18], $0x2800  }
.Ltmp2:
0x48: {  	[sflag:s18] =	ssyncset.done $0x0;
	(pc) =	sbr.rel @p1 .LBB2_6-.Ltmp2, $4  }
0x49: {  	s22 =	sadd.s32 $0x27D0, s22;
	[sflag:s18] =	ssyncadd.s32 $0xFFFFD800  }
0x4a: {  	[spmem:s1] =	stream.indirect.scatter.add.f32 [tilespmem:s16], [sflag:$0x3], $0x80, s22, s14, $0xb8;
	[tilespmem:$0x1D780] =	vst v63  }
0x4b: {  	_ =	swait.ge [sflag:s12], $0x2800  }
0x4c: {  	s23 =	smov.u32 s26;
	s22 =	sshra.s32 s25, $0x2;
	[sflag:s12] =	ssyncset.done $0x0  }
0x4d: {  	s23 =	sadd.s32 $0x50, s22;
	[sflag:s12] =	ssyncadd.s32 $0xFFFFD800  }
0x4e: {  	[tilespmem:s16], [sflag:$0x2] =	stream.indirect.gather [hbm4b:s4+s14], $0x80, s23, s14, $0xb8;
	[tilespmem:$0x1D780] =	vst v63  }
0x4f: {  	_ =	swait.ge [sflag:s17], $0x2800  }
0x50: {  	[sflag:s17] =	ssyncset.done $0x0  }
0x51: {  	s29 =	sadd.s32 $0x2780, s22;
	[sflag:s17] =	ssyncadd.s32 $0xFFFFD800  }
0x52: {  	[spmem:s1] =	stream.indirect.scatter.add.f32 [tilespmem:s15], [sflag:$0x3], $0x80, s29, s14, $0xb8;
	[tilespmem:$0x1D780] =	vst v63  }
0x53: {  	_ =	swait.ge [sflag:s12], $0x2800  }
0x54: {  	[sflag:s12] =	ssyncset.done $0x0  }
0x55: {  	s30 =	sadd.s32 $0xA0, s22;
	[sflag:s12] =	ssyncadd.s32 $0xFFFFD800  }
0x56: {  	[tilespmem:s15], [sflag:$0x1] =	stream.indirect.gather [hbm4b:s4+s14], $0x80, s30, s14, $0xb8;
	[tilespmem:$0x1D780] =	vst v63  }
0x57: {  	_ =	swait.ge [sflag:s18], $0x2800  }
0x58: {  	[sflag:s18] =	ssyncset.done $0x0  }
0x59: {  	s31 =	sadd.s32 $0x27D0, s22;
	[sflag:s18] =	ssyncadd.s32 $0xFFFFD800  }
0x5a: {  	[spmem:s1] =	stream.indirect.scatter.add.f32 [tilespmem:s16], [sflag:$0x3], $0x80, s31, s14, $0xb8;
	[tilespmem:$0x1D780] =	vst v63  }
0x5b: {  	_ =	swait.ge [sflag:s12], $0x2800  }
0x5c: {  	[sflag:s12] =	ssyncset.done $0x0  }
0x5d: {  	[sflag:s12] =	ssyncadd.s32 $0xFFFFD800  }
0x5e: {  	_ =	swait.ge [sflag:s17], $0x2800  }
0x5f: {  	[sflag:s17] =	ssyncset.done $0x0  }
0x60: {  	[sflag:s17] =	ssyncadd.s32 $0xFFFFD800  }
0x61: {  	[spmem:s1] =	stream.indirect.scatter.add.f32 [tilespmem:s15], [sflag:$0x3], $0x80, s19, s14, $0xb8;
	[tilespmem:$0x1D780] =	vst v63  }
0x62: {  	_ =	swait.ge [sflag:s12], $0x2800  }
0x63: {  	s3 =	sadd.s32 $0x1, s3;
	[sflag:s12] =	ssyncset.done $0x0  }
0x64: {  	p1 =	sne.s32 s3, s10;
	[sflag:s12] =	ssyncadd.s32 $0xFFFFD800  }
.Ltmp3:
0x65: {  	s22 =	simm.s32 @!p0 $0x3;
	[bflag:$0x0] =	sbarrier.arrive $0xFFFF;
	(pc) =	sbr.rel @p1 .LBB2_1-.Ltmp3, $4  }
0x66: {  	[hbm:s8], [sflag:s20] =	dma.local @!p0 [spmem:s21], $0x3E80  }
0x67: {  	_ =	swait.ge @!p0 [sflag:s22], $0x3E80  }
0x68: {  	[sflag:s22] =	ssyncset.done @!p0 $0x0  }
0x69: {  	[sflag:s22] =	ssyncadd.s32 @!p0 $0xFFFFC180  }
0x6a: {  	_ =	sfence.sel $0x180000  }
0x6b: {  	[bflag:$0x0] =	sbarrier.arrive $0xFFFF  }
0x6c: {  	p0 =	sne.s32 s2, $0x0;
	_ =	strace $0x9000004A  }
0x6d: {  	s0 =	sadd.s32 @!p0 $0x100000, s0;
	[bflag:$0x2] =	sbarrier.arrive $0xFFFF  }
0x6e: {  	[sflag:s0] =	ssyncadd.tile.s32 @!p0 $0x1;
	_ =	shalt  }
.Lfunc_end2:
_tile_overlayer_lowered:
.L_overlay_start_2:
0x6f: {  	(tag) =	ssettag $0x2  }
0x70: {  	s0 =	rddreg [dreg:$0x0];
	s2 =	stileid.u32  }
0x71: {  	s1 =	rddreg [dreg:$0x1];
	p0 =	sne.s32 s2, $0x0  }
0x72: {  	s3 =	rddreg [dreg:$0x2];
	[bflag:$0x3] =	sbarrier.arrive $0xFFFF;
	s2 =	simm.s32 @!p0 $0x1C03  }
0x73: {  	[timem:s3], [sflag:s2] =	dma.local @!p0 [hbm:s0], s1  }
0x74: {  	s0 =	simm.s32 @!p0 $0x3  }
0x75: {  	_ =	swait.ge @!p0 [sflag:s0], s1  }
0x76: {  	s1 =	ssub.s32 @!p0 $0x0, s1;
	[sflag:s0] =	ssyncset.done @!p0 $0x0  }
0x77: {  	[sflag:s0] =	ssyncadd.s32 @!p0 s1  }
0x78: {  	[bflag:$0x3] =	sbarrier.arrive $0xFFFF  }
0x79: {  	_ =	shalt  }

// kernel: kernel.8.cloned.1.call-start
scs
__scs_entry_jumppad:
0x0: {  	(pc) =	sbr.rel $0x88, $3  }
0x1: {  	(tag) =	ssettag $0x0;
	lr =	simm.s32 $0x1  }
0x2: {  	[smem:$0x3F93] =	sst lr;
	_ =	strace $0xD0000000  }
0x3: {  	_ = 	snop  }
0x4: {  	_ = 	snop  }
0x5: {  	_ = 	snop  }
0x6: {  	_ = 	snop  }
0x7: {  	_ = 	snop  }
__scs_overlays_trampoline_lowered:
0x8: {  	[smem:$0x3FA2] =	sst s0  }
0x9: {  	[smem:$0x3FA3] =	sst s1  }
0xa: {  	[smem:$0x3FA4] =	sst s2  }
0xb: {  	[smem:$0x3FA5] =	sst s3  }
0xc: {  	[smem:$0x3FA6] =	sst s4  }
0xd: {  	[smem:$0x3FA7] =	sst s5  }
0xe: {  	[smem:$0x3FA8] =	sst s6  }
0xf: {  	[smem:$0x3FA9] =	sst s7  }
0x10: {  	[smem:$0x3FAA] =	sst s8  }
0x11: {  	[smem:$0x3FAB] =	sst s9;
	s0 =	simm.s32 @!p0 $0x0  }
0x12: {  	s1 =	sld [smem:$0x3F91];
	s0 =	simm.s32 @p0 $0x1  }
0x13: {  	[smem:$0x3FAC] =	sst s0;
	s0 =	simm.s32 @!p1 $0x0  }
0x14: {  	s2 =	sld [smem:$0x3F90];
	s0 =	simm.s32 @p1 $0x1  }
0x15: {  	[smem:$0x3FAD] =	sst s0;
	s0 =	simm.s32 @!p2 $0x0  }
0x16: {  	s3 =	sld [smem:$0x3FDB];
	s0 =	simm.s32 @p2 $0x1  }
0x17: {  	s4 =	simm.s32 $0x1BF5;
	[smem:$0x3FAF] =	sst s0  }
0x18: {  	s0 =	sld [smem:$0x3F92];
	_ =	swait.ge [sflag:s4], $0x0  }
0x19: {  	s7 =	sld [smem:$0x3F93]  }
0x1a: {  	s8 =	sadd.s32 $0xFFFFE003, lr  }
0x1b: {  	s9 =	sadd.s32 $0xFFFFFEF7, lr;
	s5 =	simm.s32 $0xFFFFFFFF;
	p2 =	slt.u32 s8, $0xFFFFF086  }
0x1c: {  	p1 =	slt.u32 s9, $0xF7A;
	s5 =	simm.s32 @!p2 $0x0  }
0x1d: {  	s5 =	simm.s32 @p1 $0x1;
	p0 =	seq.s32 s7, s2  }
0x1e: {  	s7 =	smul.u32 @!p0 $0xF7A, s2;
	p2 =	seq.s32 @!p0 s5, $0x0  }
0x1f: {  	s9 =	smul.u32 $0xF7A, s1;
	s8 =	simm.s32 @!p0 $0x1BF5;
	p2 =	por !p2, p0  }
0x20: {  	[sflag:s8] =	ssyncset.s32 @!p0 $0xFFFFF086;
	s6 =	sadd.s32 @!p0 s3, s7;
	s7 =	simm.s32 @!p0 $0x108  }
0x21: {  	s3 =	sadd.s32 s3, s9;
	s6 =	sadd.s32 @!p0 $0x88, s6;
	s7 =	simm.s32 @p2 $0x1082  }
0x22: {  	[simem:s7], [sflag:s8] =	dma.local @!p0 [hbm:s6], $0xF7A  }
0x23: {  	s9 =	sor.u32 $0xD0000000, s2;
	s6 =	simm.s32 $0x108;
	_ =	swait.ge @!p0 [sflag:s8], $0x0  }
0x24: {  	s3 =	sadd.s32 $0x88, s3;
	s6 =	simm.s32 @!p1 $0x1082;
	[sflag:s4] =	ssyncset.s32 $0xFFFFF086  }
0x25: {  	[simem:s6], [sflag:s4] =	dma.local [hbm:s3], $0xF7A  }
0x26: {  	[smem:$0x3F93] =	sst s1;
	(tag) =	ssettag s2;
	_ =	strace s9  }
0x27: {  	s1 =	sld [smem:$0x3FA3]  }
0x28: {  	s2 =	sld [smem:$0x3FA4]  }
0x29: {  	s4 =	sld [smem:$0x3FA6]  }
0x2a: {  	p0 =	seq.s32 s5, $0x0;
	s5 =	sld [smem:$0x3FA7]  }
0x2b: {  	s6 =	sld [smem:$0x3FA8]  }
0x2c: {  	s7 =	sld [smem:$0x3FA9]  }
0x2d: {  	s3 =	simm.s32 $0x108;
	s8 =	sld [smem:$0x3FAA]  }
0x2e: {  	s3 =	simm.s32 @!p0 $0x1082;
	s9 =	sld [smem:$0x3FAB]  }
0x2f: {  	lr =	sadd.s32 s0, s3;
	s0 =	sld [smem:$0x3FA2]  }
0x30: {  	s3 =	sld [smem:$0x3FA5]  }
0x31: {  	[smem:$0x3FAE] =	sst s10  }
0x32: {  	s10 =	sld [smem:$0x3FAC];
	_ =	sdelay $0x3  }
0x33: {  	p0 =	seq.s32 s10, $0x1;
	s10 =	sld [smem:$0x3FAE];
	_ =	sdelay $0x3  }
0x34: {  	[smem:$0x3FAE] =	sst s10  }
0x35: {  	s10 =	sld [smem:$0x3FAD];
	_ =	sdelay $0x3  }
0x36: {  	p1 =	seq.s32 s10, $0x1;
	s10 =	sld [smem:$0x3FAE];
	_ =	sdelay $0x3  }
0x37: {  	[smem:$0x3FAE] =	sst s10  }
0x38: {  	s10 =	sld [smem:$0x3FAF]  }
0x39: {  	_ = 	snop;
	(pc) =	sbr.ind lr, $3  }
0x3a: {  	_ = 	snop  }
0x3b: {  	_ = 	snop  }
0x3c: {  	p2 =	seq.s32 s10, $0x1;
	s10 =	sld [smem:$0x3FAE]  }
0x3d: {  	_ =	shalt  }
0x3e: {  	_ =	shalt  }
0x3f: {  	_ =	shalt  }
0x40: {  	_ =	shalt  }
0x41: {  	_ =	shalt  }
0x42: {  	_ =	shalt  }
0x43: {  	_ =	shalt  }
0x44: {  	_ =	shalt  }
0x45: {  	_ =	shalt  }
0x46: {  	_ =	shalt  }
0x47: {  	_ =	shalt  }
0x48: {  	_ =	shalt  }
0x49: {  	_ =	shalt  }
0x4a: {  	_ =	shalt  }
0x4b: {  	_ =	shalt  }
0x4c: {  	_ =	shalt  }
0x4d: {  	_ =	shalt  }
0x4e: {  	_ =	shalt  }
0x4f: {  	_ =	shalt  }
0x50: {  	_ =	shalt  }
0x51: {  	_ =	shalt  }
0x52: {  	_ =	shalt  }
0x53: {  	_ =	shalt  }
0x54: {  	_ =	shalt  }
0x55: {  	_ =	shalt  }
0x56: {  	_ =	shalt  }
0x57: {  	_ =	shalt  }
0x58: {  	_ =	shalt  }
0x59: {  	_ =	shalt  }
0x5a: {  	_ =	shalt  }
0x5b: {  	_ =	shalt  }
0x5c: {  	_ =	shalt  }
0x5d: {  	_ =	shalt  }
0x5e: {  	_ =	shalt  }
0x5f: {  	_ =	shalt  }
0x60: {  	_ =	shalt  }
0x61: {  	_ =	shalt  }
0x62: {  	_ =	shalt  }
0x63: {  	_ =	shalt  }
0x64: {  	_ =	shalt  }
0x65: {  	_ =	shalt  }
0x66: {  	_ =	shalt  }
0x67: {  	_ =	shalt  }
0x68: {  	_ =	shalt  }
0x69: {  	_ =	shalt  }
0x6a: {  	_ =	shalt  }
0x6b: {  	_ =	shalt  }
0x6c: {  	_ =	shalt  }
0x6d: {  	_ =	shalt  }
0x6e: {  	_ =	shalt  }
0x6f: {  	_ =	shalt  }
0x70: {  	_ =	shalt  }
0x71: {  	_ =	shalt  }
0x72: {  	_ =	shalt  }
0x73: {  	_ =	shalt  }
0x74: {  	_ =	shalt  }
0x75: {  	_ =	shalt  }
0x76: {  	_ =	shalt  }
0x77: {  	_ =	shalt  }
0x78: {  	_ =	shalt  }
0x79: {  	_ =	shalt  }
0x7a: {  	_ =	shalt  }
0x7b: {  	_ =	shalt  }
0x7c: {  	_ =	shalt  }
0x7d: {  	_ =	shalt  }
0x7e: {  	_ =	shalt  }
0x7f: {  	_ =	shalt  }
0x80: {  	_ =	shalt  }
0x81: {  	_ =	shalt  }
0x82: {  	_ =	shalt  }
0x83: {  	_ =	shalt  }
0x84: {  	_ =	shalt  }
0x85: {  	_ =	shalt  }
0x86: {  	_ =	shalt  }
0x87: {  	_ =	shalt  }
.Lfunc_end0:
.L_simem_size_0:
called_computation_lowered:
.L_overlay_start_0:
0x88: {  	s2 =	sld [smem:$0x3FD9]  }
0x89: {  	s3 =	sld [smem:$0x3FFE];
	_ =	sdelay $0x1  }
0x8a: {  	s1 =	srdreg.scid  }
0x8b: {  	s0 =	sand.u32 $0x1, s1  }
0x8c: {  	s14 =	sshll.u32 s0, $0xA;
	s2 =	sadd.s32 s3, s2  }
0x8d: {  	s2 =	sadd.s32 s2, s14  }
0x8e: {  	[smem:$0x3FBA] =	sst s2  }
0x8f: {  	_ = 	snop  }
0x90: {  	s2 =	sld [smem:$0x3FD0];
	_ =	sdelay $0x2  }
0x91: {  	s4 =	simm.s32 $0xA;
	s5 =	simm.s32 $0x10;
	s15 =	sld [smem:$0x3FC9]  }
0x92: {  	[smem:s5], [sflag:s4] =	dma.local [hbm:s2], $0x1  }
0x93: {  	_ =	swait.eq [sflag:s4], $0x1  }
0x94: {  	[sflag:s4] =	ssyncset.done $0x0  }
0x95: {  	s16 =	sld [smem:$0x10];
	[sflag:s4] =	ssyncadd.s32 $0xFFFFFFFF  }
0x96: {  	s17 =	sld [smem:$0x11];
	(tm) =	ssettm $0x1  }
0x97: {  	s18 =	sld [smem:$0x3FFB];
	_ =	sdelay $0x3  }
0x98: {  	_ =	strace s18  }
0x99: {  	s5 =	sld [smem:$0x3FFC];
	_ =	sdelay $0x3  }
0x9a: {  	_ =	strace s5  }
0x9b: {  	s5 =	sld [smem:$0x3FFD];
	_ =	sdelay $0x3  }
0x9c: {  	_ =	strace s5  }
0x9d: {  	_ =	strace $0x8FFFFFFF  }
0x9e: {  	s19 =	sld [smem:$0x3FDB];
	_ =	sdelay $0x1  }
0x9f: {  	s6 =	simm.s32 $_scs_section_size  }
0xa0: {  	s7 =	simm.s32 $_size__tile_overlayer_lowered;
	s8 =	simm.s32 $_tile_overlayer_lowered  }
0xa1: {  	s22 =	simm.s32 $0x1BFF;
	s21 =	sshll.u32 s8, $0x1;
	s5 =	sadd.s32 s6, s19  }
0xa2: {  	s9 =	simm.s32 $0x0;
	s20 =	sshll.u32 s7, $0x1;
	s7 =	sadd.s32 s21, s5  }
0xa3: {  	[timem:s9], [sflag:s22] =	dma.local [hbm:s7], s20  }
0xa4: {  	_ =	swait.ge [sflag:s22], s20  }
0xa5: {  	s6 =	ssub.s32 $0x0, s20;
	[sflag:s22] =	ssyncset.done $0x0  }
0xa6: {  	[sflag:s22] =	ssyncadd.s32 s6;
	_ =	sdelay $0x1  }
0xa7: {  	s23 =	simm.s32 $0x1B8B  }
0xa8: {  	_ =	swait.ge [sflag:s23], $0x1  }
0xa9: {  	[sflag:s23] =	ssyncset.done $0x0  }
0xaa: {  	s25 =	simm.s32 $0x1B8E;
	s24 =	sld [smem:$0x3FFE];
	[sflag:s23] =	ssyncadd.s32 $0xFFFFFFFF  }
0xab: {  	s26 =	simm.s32 $execute0_lowered;
	[smem:$0x3FD2] =	sst s25  }
0xac: {  	s7 =	sshll.u32 s26, $0x1;
	_ =	strace $0x80000046;
	[dreg:$0x1] =	wrdreg $0xFFFFFFFF  }
0xad: {  	s28 =	simm.s32 $_size_execute0_lowered;
	s5 =	sadd.s32 s5, s7;
	[dreg:$0x0] =	wrdreg $0x0  }
0xae: {  	s7 =	sshll.u32 s28, $0x1;
	[dreg:$0x2] =	wrdreg s5  }
0xaf: {  	[dreg:$0x3] =	wrdreg s7  }
0xb0: {  	[dreg:$0x4] =	wrdreg $0xC0  }
0xb1: {  	_ =	task [dreg:s9], $0x5FFFF  }
0xb2: {  	[dreg:$0x1] =	wrdreg $0xFFFFFFFF  }
0xb3: {  	[dreg:$0x0] =	wrdreg $0x60  }
0xb4: {  	[dreg:$0x2] =	wrdreg s15  }
0xb5: {  	[dreg:$0x3] =	wrdreg s16  }
0xb6: {  	[dreg:$0x4] =	wrdreg s17  }
0xb7: {  	[dreg:$0x5] =	wrdreg s24  }
0xb8: {  	[dreg:$0x6] =	wrdreg $0x9F000  }
0xb9: {  	[dreg:$0x7] =	wrdreg $0x9  }
0xba: {  	_ =	task.clear_ibuf [dreg:s9], $0x8FFFF;
	_ =	strace $0x90000046  }
0xbb: {  	s29 =	simm.s32 $0x9;
	_ =	strace $0x80000048  }
0xbc: {  	_ =	swait.ge [sflag:s29], $0x1  }
0xbd: {  	[sflag:s29] =	ssyncadd.s32 $0xFFFFFFFF  }
0xbe: {  	_ =	strace $0x90000048  }
0xbf: {  	_ =	sfence  }
0xc0: {  	s30 =	sld [smem:$0x0];
	_ =	sdelay $0x2  }
0xc1: {  	s31 =	sshll.u32 s1, $0xD;
	s1 =	sshrl.u32 s1, $0x2  }
0xc2: {  	s3 =	sand.u32 $0x4000, s31;
	s1 =	sadd.s32 s1, s30  }
0xc3: {  	s0 =	sor.u32 s3, s0;
	s1 =	sshll.u32 s1, $0x11  }
0xc4: {  	s0 =	sor.u32 s1, s0  }
0xc5: {  	s0 =	sadd.s32 $0x8F2B, s0  }
0xc6: {  	[sflag:s0] =	ssyncadd.remote.s32 $0x1  }
0xc7: {  	_ =	sfence.sel $0xFFFF  }
0xc8: {  	[dreg:$0x0] =	wrdreg $0xFFFFFFFF;
	(pc) =	sbr.abs _section_cstart, $3  }
0xc9: {  	[dreg:$0x1] =	wrdreg $0xFFFFFFFF  }
0xca: {  	_ =	task.clear_ibuf [dreg:s9], $0x2FFFF;
	_ =	strace $0x9FFFFFFF  }
0xcb: {  	(tm) =	ssettm $0x7FFFFFFF  }
tec
execute0_lowered:
.L_overlay_start_1:
0x0: {  	(tag) =	ssettag $0x1  }
0x1: {  	s1 =	rddreg [dreg:$0x0]  }
0x2: {  	s7 =	rddreg [dreg:$0x1]  }
0x3: {  	s8 =	rddreg [dreg:$0x2]  }
0x4: {  	s9 =	rddreg [dreg:$0x3]  }
0x5: {  	s2 =	rddreg [dreg:$0x4]  }
0x6: {  	s0 =	rddreg [dreg:$0x5]  }
0x7: {  	s4 =	simm.s32 $0x0;
	s3 =	srdreg.scid;
	s15 =	simm.s32 $0x2780  }
0x8: {  	s16 =	simm.s32 $0x4F00;
	s17 =	simm.s32 $0x50;
	s18 =	simm.s32 $0x1  }
0x9: {  	s20 =	simm.s32 $0x7700;
	s21 =	simm.s32 $0x2;
	s22 =	simm.s32 $0x4E40  }
0xa: {  	[smem:$0x7FF] =	sst s4;
	s10 =	sand.u32 $0x1, s3;
	s3 =	stileid.u32  }
0xb: {  	s5 =	sadd.s32 $0x3200, s9;
	s6 =	sadd.s32 $0x3600, s9;
	s11 =	smul.u32 $0x138800, s10  }
0xc: {  	_ =	strace $0x80000047;
	s12 =	smul.u32 $0x1F400, s3;
	s13 =	sshll.u32 s10, $0x4  }
0xd: {  	s10 =	ssub.s32 $0x2, s10;
	s14 =	smul.u32 $0x7D000, s3;
	s31 =	sshll.u32 s3, $0x6  }
0xe: {  	p0 =	sgt.u32 s3, $0x9;
	s13 =	sor.u32 s3, s13;
	s29 =	sshrl.u32 s10, $0x1  }
0xf: {  	s11 =	sadd.s32 s12, s11;
	s28 =	smul.u32 $0x4E2, s13;
	s13 =	ssub.s32 s10, s29  }
0x10: {  	s30 =	sshrl.u32 s14, $0x2;
	s14 =	simm.s32 $0x3;
	s11 =	sshrl.u32 s11, $0x3  }
0x11: {  	s10 =	sadd.s32 s30, s2;
	s12 =	smax.u32 s13, $0x1;
	s13 =	sor.u32 $0x1C03, s31  }
0x12: {  	s11 =	sadd.s32 s11, s9;
	s7 =	sadd.s32 s7, s28;
	s8 =	sadd.s32 s8, s28  }
0x13: {  	s19 =	sshrl.u32 s10, $0x3;
	s9 =	sadd.s32 $0x51E00, s11;
	s11 =	sadd.s32 $0x3C00, s11  }
.LBB2_1:
.Ltmp0:
0x14: {  	(pc) =	sbr.rel @p0 .LBB2_5-.Ltmp0, $1  }
0x15: {  	_ =	sdelay $0x3  }
0x16: {  	s23 =	sadd.s32 $0x0, s10  }
0x17: {  	s23 =	sshrl.u32 s23, $0x3  }
0x18: {  	[spmem:s23], [sflag:s13] =	dma.local [hbm:s5], $0x280  }
0x19: {  	s23 =	simm.s32 $0x5000;
	_ =	swait.ge [sflag:s14], $0x280  }
.LBB2_3:
0x1a: {  	s24 =	sshra.s32 s23, $0x2;
	[sflag:s14] =	ssyncset.done $0x0;
	p1 =	sne.s32 s23, $0x78000  }
.Ltmp1:
0x1b: {  	s24 =	sadd.s32 s24, s10;
	[sflag:s14] =	ssyncadd.s32 $0xFFFFFD80;
	(pc) =	sbr.rel @p1 .LBB2_3-.Ltmp1, $4  }
0x1c: {  	s23 =	sadd.s32 $0x5000, s23;
	s24 =	sshrl.u32 s24, $0x3  }
0x1d: {  	[spmem:s24], [sflag:s13] =	dma.local [hbm:s5], $0x280  }
0x1e: {  	_ = 	snop  }
0x1f: {  	_ =	swait.ge [sflag:s14], $0x280  }
0x20: {  	[sflag:s14] =	ssyncset.done $0x0  }
0x21: {  	[sflag:s14] =	ssyncadd.s32 $0xFFFFFD80  }
.LBB2_5:
0x22: {  	s23 =	simm.s32 $0x0  }
0x23: {  	[tilespmem:s23], [sflag:$0x3] =	stream.linear.gather [hbm4b:s7+s23], $0x2710, $0x38;
	[tilespmem:$0x1D780] =	vst v63  }
0x24: {  	_ =	swait.ge [sflag:s14], $0x2710  }
0x25: {  	[sflag:s14] =	ssyncset.done $0x0  }
0x26: {  	[sflag:s14] =	ssyncadd.s32 $0xFFFFD8F0  }
0x27: {  	[tilespmem:s15], [sflag:$0x3] =	stream.linear.gather [hbm4b:s8+s23], $0x2710, $0x38;
	[tilespmem:$0x1D780] =	vst v63  }
0x28: {  	_ =	swait.ge [sflag:s14], $0x2710  }
0x29: {  	[sflag:s14] =	ssyncset.done $0x0  }
0x2a: {  	[sflag:s14] =	ssyncadd.s32 $0xFFFFD8F0  }
0x2b: {  	[tilespmem:s16], [sflag:$0x3] =	stream.linear.gather [hbm4b:s6+s23], $0x2800, $0x38;
	[tilespmem:$0x1D780] =	vst v63  }
0x2c: {  	_ =	swait.ge [sflag:s14], $0x2800  }
0x2d: {  	[sflag:s14] =	ssyncset.done $0x0  }
0x2e: {  	[sflag:s14] =	ssyncadd.s32 $0xFFFFD800  }
0x2f: {  	s26 =	simm.s32 $0x2780;
	[bflag:$0x0] =	sbarrier.arrive $0xFFFF  }
0x30: {  	[spmem:s2] =	stream.indirect.scatter.add.f32 [tilespmem:s16], [sflag:$0x1], $0x80, s26, s17, $0xb8;
	[tilespmem:$0x1D780] =	vst v63  }
0x31: {  	s28 =	simm.s32 $0x27D0  }
0x32: {  	[spmem:s2] =	stream.indirect.scatter.add.f32 [tilespmem:s16], [sflag:$0x1], $0x80, s28, s17, $0xb8;
	[tilespmem:$0x1D780] =	vst v63  }
0x33: {  	s29 =	simm.s32 $0x2820  }
0x34: {  	[spmem:s2] =	stream.indirect.scatter.add.f32 [tilespmem:s16], [sflag:$0x1], $0x80, s29, s17, $0xb8;
	[tilespmem:$0x1D780] =	vst v63  }
0x35: {  	s30 =	simm.s32 $0x2870  }
0x36: {  	[spmem:s2] =	stream.indirect.scatter.add.f32 [tilespmem:s16], [sflag:$0x1], $0x80, s30, s17, $0xb8;
	[tilespmem:$0x1D780] =	vst v63  }
0x37: {  	s31 =	simm.s32 $0x28C0  }
0x38: {  	[spmem:s2] =	stream.indirect.scatter.add.f32 [tilespmem:s16], [sflag:$0x1], $0x80, s31, s17, $0xb8;
	[tilespmem:$0x1D780] =	vst v63  }
0x39: {  	_ =	swait.ge [sflag:s18], $0x2800  }
0x3a: {  	[sflag:s18] =	ssyncset.done $0x0  }
0x3b: {  	[sflag:s18] =	ssyncadd.s32 $0xFFFFD800  }
0x3c: {  	_ =	swait.ge [sflag:s18], $0x2800  }
0x3d: {  	[sflag:s18] =	ssyncset.done $0x0  }
0x3e: {  	[sflag:s18] =	ssyncadd.s32 $0xFFFFD800  }
0x3f: {  	_ =	swait.ge [sflag:s18], $0x2800  }
0x40: {  	[sflag:s18] =	ssyncset.done $0x0  }
0x41: {  	[sflag:s18] =	ssyncadd.s32 $0xFFFFD800  }
0x42: {  	_ =	swait.ge [sflag:s18], $0x2800  }
0x43: {  	[sflag:s18] =	ssyncset.done $0x0  }
0x44: {  	[sflag:s18] =	ssyncadd.s32 $0xFFFFD800  }
0x45: {  	_ =	swait.ge [sflag:s18], $0x2800  }
0x46: {  	s24 =	simm.s32 $0xC80;
	s23 =	simm.s32 $0x190;
	[sflag:s18] =	ssyncset.done $0x0  }
.LBB2_6:
0x47: {  	s25 =	sadd.s32 $0x2780, s23  }
0x48: {  	[sflag:s18] =	ssyncadd.s32 $0xFFFFD800;
	s26 =	smov.u32 s24;
	s28 =	sadd.s32 $0x640, s24  }
0x49: {  	[spmem:s2] =	stream.indirect.scatter.add.f32 [tilespmem:s16], [sflag:$0x1], $0x80, s25, s17, $0xb8;
	[tilespmem:$0x1D780] =	vst v63  }
0x4a: {  	p1 =	sne.s32 s24, $0x9600;
	s24 =	sadd.s32 $0x27D0, s23  }
0x4b: {  	[spmem:s2] =	stream.indirect.scatter.add.f32 [tilespmem:s16], [sflag:$0x1], $0x80, s24, s17, $0xb8;
	[tilespmem:$0x1D780] =	vst v63  }
0x4c: {  	s24 =	sadd.s32 $0x2820, s23  }
0x4d: {  	[spmem:s2] =	stream.indirect.scatter.add.f32 [tilespmem:s16], [sflag:$0x1], $0x80, s24, s17, $0xb8;
	[tilespmem:$0x1D780] =	vst v63  }
0x4e: {  	s24 =	sadd.s32 $0x2870, s23  }
0x4f: {  	[spmem:s2] =	stream.indirect.scatter.add.f32 [tilespmem:s16], [sflag:$0x1], $0x80, s24, s17, $0xb8;
	[tilespmem:$0x1D780] =	vst v63  }
0x50: {  	s23 =	sadd.s32 $0x28C0, s23  }
0x51: {  	[spmem:s2] =	stream.indirect.scatter.add.f32 [tilespmem:s16], [sflag:$0x1], $0x80, s23, s17, $0xb8;
	[tilespmem:$0x1D780] =	vst v63  }
0x52: {  	_ =	swait.ge [sflag:s18], $0x2800  }
0x53: {  	[sflag:s18] =	ssyncset.done $0x0  }
0x54: {  	[sflag:s18] =	ssyncadd.s32 $0xFFFFD800  }
0x55: {  	_ =	swait.ge [sflag:s18], $0x2800  }
0x56: {  	[sflag:s18] =	ssyncset.done $0x0  }
0x57: {  	[sflag:s18] =	ssyncadd.s32 $0xFFFFD800  }
0x58: {  	_ =	swait.ge [sflag:s18], $0x2800  }
0x59: {  	[sflag:s18] =	ssyncset.done $0x0  }
0x5a: {  	[sflag:s18] =	ssyncadd.s32 $0xFFFFD800  }
.Ltmp2:
0x5b: {  	_ =	swait.ge [sflag:s18], $0x2800;
	(pc) =	sbr.rel @p1 .LBB2_6-.Ltmp2, $4  }
0x5c: {  	[sflag:s18] =	ssyncset.done $0x0  }
0x5d: {  	[sflag:s18] =	ssyncadd.s32 $0xFFFFD800  }
0x5e: {  	_ =	swait.ge [sflag:s18], $0x2800  }
0x5f: {  	s24 =	smov.u32 s28;
	s23 =	sshra.s32 s26, $0x2;
	[sflag:s18] =	ssyncset.done $0x0  }
0x60: {  	s24 =	sadd.s32 $0x2780, s23;
	[sflag:s18] =	ssyncadd.s32 $0xFFFFD800  }
0x61: {  	[spmem:s2] =	stream.indirect.scatter.add.f32 [tilespmem:s16], [sflag:$0x1], $0x80, s24, s17, $0xb8;
	[tilespmem:$0x1D780] =	vst v63  }
0x62: {  	s28 =	sadd.s32 $0x27D0, s23  }
0x63: {  	[spmem:s2] =	stream.indirect.scatter.add.f32 [tilespmem:s16], [sflag:$0x1], $0x80, s28, s17, $0xb8;
	[tilespmem:$0x1D780] =	vst v63  }
0x64: {  	s29 =	sadd.s32 $0x2820, s23  }
0x65: {  	[spmem:s2] =	stream.indirect.scatter.add.f32 [tilespmem:s16], [sflag:$0x1], $0x80, s29, s17, $0xb8;
	[tilespmem:$0x1D780] =	vst v63  }
0x66: {  	s30 =	sadd.s32 $0x2870, s23  }
0x67: {  	[spmem:s2] =	stream.indirect.scatter.add.f32 [tilespmem:s16], [sflag:$0x1], $0x80, s30, s17, $0xb8;
	[tilespmem:$0x1D780] =	vst v63  }
0x68: {  	s31 =	sadd.s32 $0x28C0, s23  }
0x69: {  	[spmem:s2] =	stream.indirect.scatter.add.f32 [tilespmem:s16], [sflag:$0x1], $0x80, s31, s17, $0xb8;
	[tilespmem:$0x1D780] =	vst v63  }
0x6a: {  	_ =	swait.ge [sflag:s18], $0x2800  }
0x6b: {  	[sflag:s18] =	ssyncset.done $0x0  }
0x6c: {  	[sflag:s18] =	ssyncadd.s32 $0xFFFFD800  }
0x6d: {  	_ =	swait.ge [sflag:s18], $0x2800  }
0x6e: {  	[sflag:s18] =	ssyncset.done $0x0  }
0x6f: {  	[sflag:s18] =	ssyncadd.s32 $0xFFFFD800  }
0x70: {  	_ =	swait.ge [sflag:s18], $0x2800  }
0x71: {  	[sflag:s18] =	ssyncset.done $0x0  }
0x72: {  	[sflag:s18] =	ssyncadd.s32 $0xFFFFD800  }
0x73: {  	_ =	swait.ge [sflag:s18], $0x2800  }
0x74: {  	[sflag:s18] =	ssyncset.done $0x0  }
0x75: {  	[sflag:s18] =	ssyncadd.s32 $0xFFFFD800  }
.Ltmp3:
0x76: {  	_ =	swait.ge [sflag:s18], $0x2800;
	(pc) =	sbr.rel @p0 .LBB2_11-.Ltmp3, $3  }
0x77: {  	[sflag:s18] =	ssyncset.done $0x0  }
0x78: {  	[sflag:s18] =	ssyncadd.s32 $0xFFFFD800  }
0x79: {  	[bflag:$0x0] =	sbarrier.arrive $0xFFFF;
	_ =	sdelay $0x1  }
0x7a: {  	[hbm:s9], [sflag:s13] =	dma.local [spmem:s19], $0x3E80  }
0x7b: {  	_ =	swait.ge [sflag:s14], $0x3E80  }
0x7c: {  	[sflag:s14] =	ssyncset.done $0x0  }
0x7d: {  	s23 =	sadd.s32 $0x0, s10;
	[sflag:s14] =	ssyncadd.s32 $0xFFFFC180  }
0x7e: {  	s23 =	sshrl.u32 s23, $0x3;
	[bflag:$0x0] =	sbarrier.arrive $0xFFFF  }
0x7f: {  	[spmem:s23], [sflag:s13] =	dma.local [hbm:s5], $0x280  }
0x80: {  	s23 =	simm.s32 $0x5000;
	_ =	swait.ge [sflag:s14], $0x280  }
.LBB2_9:
0x81: {  	s24 =	sshra.s32 s23, $0x2;
	[sflag:s14] =	ssyncset.done $0x0;
	p1 =	seq.s32 s23, $0x78000  }
.Ltmp4:
0x82: {  	s24 =	sadd.s32 s24, s10;
	[sflag:s14] =	ssyncadd.s32 $0xFFFFFD80;
	(pc) =	sbr.rel @!p1 .LBB2_9-.Ltmp4, $4  }
0x83: {  	s23 =	sadd.s32 $0x5000, s23;
	s24 =	sshrl.u32 s24, $0x3  }
0x84: {  	[spmem:s24], [sflag:s13] =	dma.local [hbm:s5], $0x280  }
0x85: {  	_ = 	snop  }
0x86: {  	_ =	swait.ge [sflag:s14], $0x280  }
.Ltmp5:
0x87: {  	(pc) =	sbr.rel .LBB2_12-.Ltmp5, $3  }
0x88: {  	_ =	sdelay $0x1  }
0x89: {  	[sflag:s14] =	ssyncset.done $0x0  }
0x8a: {  	[sflag:s14] =	ssyncadd.s32 $0xFFFFFD80  }
.LBB2_11:
0x8b: {  	[bflag:$0x0] =	sbarrier.arrive $0xFFFF  }
.LBB2_12:
0x8c: {  	[bflag:$0x0] =	sbarrier.arrive $0xFFFF;
	s23 =	simm.s32 $0x0  }
0x8d: {  	[tilespmem:s16], [sflag:$0x1] =	stream.indirect.gather [hbm4b:s1+s17], $0x80, s23, s17, $0xb8;
	[tilespmem:$0x1D780] =	vst v63  }
0x8e: {  	s28 =	simm.s32 $0x50  }
0x8f: {  	[tilespmem:s20], [sflag:$0x2] =	stream.indirect.gather [hbm4b:s1+s17], $0x80, s28, s17, $0xb8;
	[tilespmem:$0x1D780] =	vst v63  }
0x90: {  	_ =	swait.ge [sflag:s18], $0x2800  }
0x91: {  	[sflag:s18] =	ssyncset.done $0x0  }
0x92: {  	s29 =	simm.s32 $0x2780;
	[sflag:s18] =	ssyncadd.s32 $0xFFFFD800  }
0x93: {  	[spmem:s2] =	stream.indirect.scatter.add.f32 [tilespmem:s16], [sflag:$0x3], $0x80, s29, s17, $0xb8;
	[tilespmem:$0x1D780] =	vst v63  }
0x94: {  	_ =	swait.ge [sflag:s14], $0x2800  }
0x95: {  	[sflag:s14] =	ssyncset.done $0x0  }
0x96: {  	s30 =	simm.s32 $0xA0;
	[sflag:s14] =	ssyncadd.s32 $0xFFFFD800  }
0x97: {  	[tilespmem:s16], [sflag:$0x1] =	stream.indirect.gather [hbm4b:s1+s17], $0x80, s30, s17, $0xb8;
	[tilespmem:$0x1D780] =	vst v63  }
0x98: {  	_ =	swait.ge [sflag:s21], $0x2800  }
0x99: {  	[sflag:s21] =	ssyncset.done $0x0  }
0x9a: {  	s31 =	simm.s32 $0x27D0;
	[sflag:s21] =	ssyncadd.s32 $0xFFFFD800  }
0x9b: {  	[spmem:s2] =	stream.indirect.scatter.add.f32 [tilespmem:s20], [sflag:$0x3], $0x80, s31, s17, $0xb8;
	[tilespmem:$0x1D780] =	vst v63  }
0x9c: {  	_ =	swait.ge [sflag:s14], $0x2800  }
0x9d: {  	s24 =	simm.s32 $0x500;
	s23 =	simm.s32 $0xA0;
	[sflag:s14] =	ssyncset.done $0x0  }
.LBB2_13:
0x9e: {  	s25 =	sadd.s32 $0x50, s23  }
0x9f: {  	[sflag:s14] =	ssyncadd.s32 $0xFFFFD800;
	s26 =	smov.u32 s24;
	s28 =	sadd.s32 $0x280, s24  }
0xa0: {  	[tilespmem:s20], [sflag:$0x2] =	stream.indirect.gather [hbm4b:s1+s17], $0x80, s25, s17, $0xb8;
	[tilespmem:$0x1D780] =	vst v63  }
0xa1: {  	p1 =	sne.s32 s24, $0x9880;
	_ =	swait.ge [sflag:s18], $0x2800  }
0xa2: {  	[sflag:s18] =	ssyncset.done $0x0  }
0xa3: {  	s24 =	sadd.s32 $0x2780, s23;
	[sflag:s18] =	ssyncadd.s32 $0xFFFFD800  }
0xa4: {  	[spmem:s2] =	stream.indirect.scatter.add.f32 [tilespmem:s16], [sflag:$0x3], $0x80, s24, s17, $0xb8;
	[tilespmem:$0x1D780] =	vst v63  }
0xa5: {  	_ =	swait.ge [sflag:s14], $0x2800  }
0xa6: {  	[sflag:s14] =	ssyncset.done $0x0  }
0xa7: {  	s24 =	sadd.s32 $0xA0, s23;
	[sflag:s14] =	ssyncadd.s32 $0xFFFFD800  }
0xa8: {  	[tilespmem:s16], [sflag:$0x1] =	stream.indirect.gather [hbm4b:s1+s17], $0x80, s24, s17, $0xb8;
	[tilespmem:$0x1D780] =	vst v63  }
0xa9: {  	_ =	swait.ge [sflag:s21], $0x2800  }
.Ltmp6:
0xaa: {  	[sflag:s21] =	ssyncset.done $0x0;
	(pc) =	sbr.rel @p1 .LBB2_13-.Ltmp6, $4  }
0xab: {  	s23 =	sadd.s32 $0x27D0, s23;
	[sflag:s21] =	ssyncadd.s32 $0xFFFFD800  }
0xac: {  	[spmem:s2] =	stream.indirect.scatter.add.f32 [tilespmem:s20], [sflag:$0x3], $0x80, s23, s17, $0xb8;
	[tilespmem:$0x1D780] =	vst v63  }
0xad: {  	_ =	swait.ge [sflag:s14], $0x2800  }
0xae: {  	s24 =	smov.u32 s28;
	s23 =	sshra.s32 s26, $0x2;
	[sflag:s14] =	ssyncset.done $0x0  }
0xaf: {  	s24 =	sadd.s32 $0x50, s23;
	[sflag:s14] =	ssyncadd.s32 $0xFFFFD800  }
0xb0: {  	[tilespmem:s20], [sflag:$0x2] =	stream.indirect.gather [hbm4b:s1+s17], $0x80, s24, s17, $0xb8;
	[tilespmem:$0x1D780] =	vst v63  }
0xb1: {  	_ =	swait.ge [sflag:s18], $0x2800  }
0xb2: {  	[sflag:s18] =	ssyncset.done $0x0  }
0xb3: {  	s29 =	sadd.s32 $0x2780, s23;
	[sflag:s18] =	ssyncadd.s32 $0xFFFFD800  }
0xb4: {  	[spmem:s2] =	stream.indirect.scatter.add.f32 [tilespmem:s16], [sflag:$0x3], $0x80, s29, s17, $0xb8;
	[tilespmem:$0x1D780] =	vst v63  }
0xb5: {  	_ =	swait.ge [sflag:s14], $0x2800  }
0xb6: {  	[sflag:s14] =	ssyncset.done $0x0  }
0xb7: {  	s30 =	sadd.s32 $0xA0, s23;
	[sflag:s14] =	ssyncadd.s32 $0xFFFFD800  }
0xb8: {  	[tilespmem:s16], [sflag:$0x1] =	stream.indirect.gather [hbm4b:s1+s17], $0x80, s30, s17, $0xb8;
	[tilespmem:$0x1D780] =	vst v63  }
0xb9: {  	_ =	swait.ge [sflag:s21], $0x2800  }
0xba: {  	[sflag:s21] =	ssyncset.done $0x0  }
0xbb: {  	s31 =	sadd.s32 $0x27D0, s23;
	[sflag:s21] =	ssyncadd.s32 $0xFFFFD800  }
0xbc: {  	[spmem:s2] =	stream.indirect.scatter.add.f32 [tilespmem:s20], [sflag:$0x3], $0x80, s31, s17, $0xb8;
	[tilespmem:$0x1D780] =	vst v63  }
0xbd: {  	_ =	swait.ge [sflag:s14], $0x2800  }
0xbe: {  	[sflag:s14] =	ssyncset.done $0x0  }
0xbf: {  	[sflag:s14] =	ssyncadd.s32 $0xFFFFD800  }
0xc0: {  	_ =	swait.ge [sflag:s18], $0x2800  }
0xc1: {  	[sflag:s18] =	ssyncset.done $0x0  }
0xc2: {  	[sflag:s18] =	ssyncadd.s32 $0xFFFFD800  }
0xc3: {  	[spmem:s2] =	stream.indirect.scatter.add.f32 [tilespmem:s16], [sflag:$0x3], $0x80, s22, s17, $0xb8;
	[tilespmem:$0x1D780] =	vst v63  }
0xc4: {  	_ =	swait.ge [sflag:s14], $0x2800  }
0xc5: {  	s23 =	sshll.u32 @!p0 s3, $0x6;
	[sflag:s14] =	ssyncset.done $0x0  }
0xc6: {  	s4 =	sadd.s32 $0x1, s4;
	s23 =	sor.u32 @!p0 $0x1C03, s23;
	[sflag:s14] =	ssyncadd.s32 $0xFFFFD800  }
0xc7: {  	s24 =	sshrl.u32 @!p0 s10, $0x3;
	p1 =	sne.s32 s4, s12;
	[bflag:$0x0] =	sbarrier.arrive $0xFFFF  }
0xc8: {  	[hbm:s11], [sflag:s23] =	dma.local @!p0 [spmem:s24], $0x3E80  }
.Ltmp7:
0xc9: {  	_ = 	snop;
	(pc) =	sbr.rel @p1 .LBB2_1-.Ltmp7, $4  }
0xca: {  	s23 =	simm.s32 @!p0 $0x3  }
0xcb: {  	_ =	swait.ge @!p0 [sflag:s23], $0x3E80  }
0xcc: {  	[sflag:s23] =	ssyncset.done @!p0 $0x0  }
0xcd: {  	[sflag:s23] =	ssyncadd.s32 @!p0 $0xFFFFC180  }
0xce: {  	_ =	sfence.sel $0x180000  }
0xcf: {  	[bflag:$0x0] =	sbarrier.arrive $0xFFFF  }
0xd0: {  	p0 =	sne.s32 s3, $0x0;
	_ =	strace $0x90000047  }
0xd1: {  	s0 =	sadd.s32 @!p0 $0x100000, s0;
	[bflag:$0x2] =	sbarrier.arrive $0xFFFF  }
0xd2: {  	[sflag:s0] =	ssyncadd.tile.s32 @!p0 $0x1;
	_ =	shalt  }
.Lfunc_end2:
_tile_overlayer_lowered:
.L_overlay_start_2:
0xd3: {  	(tag) =	ssettag $0x2  }
0xd4: {  	s0 =	rddreg [dreg:$0x0];
	s2 =	stileid.u32  }
0xd5: {  	s1 =	rddreg [dreg:$0x1];
	p0 =	sne.s32 s2, $0x0  }
0xd6: {  	s3 =	rddreg [dreg:$0x2];
	[bflag:$0x3] =	sbarrier.arrive $0xFFFF;
	s2 =	simm.s32 @!p0 $0x1C03  }
0xd7: {  	[timem:s3], [sflag:s2] =	dma.local @!p0 [hbm:s0], s1  }
0xd8: {  	s0 =	simm.s32 @!p0 $0x3  }
0xd9: {  	_ =	swait.ge @!p0 [sflag:s0], s1  }
0xda: {  	s1 =	ssub.s32 @!p0 $0x0, s1;
	[sflag:s0] =	ssyncset.done @!p0 $0x0  }
0xdb: {  	[sflag:s0] =	ssyncadd.s32 @!p0 s1  }
0xdc: {  	[bflag:$0x3] =	sbarrier.arrive $0xFFFF  }
0xdd: {  	_ =	shalt  }

</sc_bundles>
